<compile_context>
chip_gen: v7x
topology: tpu7x:2x2x1
jax: 0.10.2.dev20260603
libtpu: 0.0.44.dev20260713+nightly
codegen_flags: <defaults>
</compile_context>

<pallas_src>
import functools

import jax
import jax.numpy as jnp
from jax import lax
from jax.experimental import pallas as pl
from jax.experimental.pallas import tpu as pltpu
from jax.experimental.pallas import tpu_sc as plsc

C = 100000
B = 1024
SMOOTH = 0.1
CONF = 1.0 - SMOOTH
SVAL = SMOOTH / (C - 1)

C_TC = 64800
C_SC = C - C_TC

BV = 1800
NV = C_TC // BV
NG = BV // 8

SC_NW = 32
NWC = 8
NWR = 4
RPW = C_SC // NWR
CH = 400
NCH = RPW // CH


def _loss_body(t_ref, x_ref, o_ref, m_ref, s_ref, rs_ref, tg_ref):
    v = pl.program_id(0)
    nv = pl.num_programs(0)

    @pl.when(v == 0)
    def _init():
        m_ref[...] = jnp.full((8, B), -jnp.inf, jnp.float32)
        s_ref[...] = jnp.zeros((8, B), jnp.float32)
        rs_ref[...] = jnp.zeros((8, B), jnp.float32)
        tg_ref[...] = jnp.zeros((8, B), jnp.float32)

    sub = jax.lax.broadcasted_iota(jnp.int32, (8, B), 0)
    trel = t_ref[...] - v * BV + jnp.zeros((8, B), jnp.int32)

    def p1(g, carry):
        bmax, rs = carry
        xg = x_ref[pl.ds(pl.multiple_of(g * 8, 8), 8), :]
        return jnp.maximum(bmax, xg), rs + xg

    bmax, rs = jax.lax.fori_loop(
        0, NG, p1,
        (jnp.full((8, B), -jnp.inf, jnp.float32), rs_ref[...]))
    rs_ref[...] = rs
    m_old = m_ref[...]
    m_new = jnp.maximum(m_old, bmax)
    m_ref[...] = m_new

    def p2(g, carry):
        acc, tg = carry
        xg = x_ref[pl.ds(pl.multiple_of(g * 8, 8), 8), :]
        hit = trel - g * 8 == sub
        return acc + jnp.exp(xg - m_new), tg + jnp.where(hit, xg, 0.0)

    acc, tg = jax.lax.fori_loop(
        0, NG, p2, (s_ref[...] * jnp.exp(m_old - m_new), tg_ref[...]))
    s_ref[...] = acc
    tg_ref[...] = tg

    @pl.when(v == nv - 1)
    def _fin():
        o_ref[0:8, :] = m_ref[...]
        o_ref[8:16, :] = s_ref[...]
        o_ref[16:24, :] = rs_ref[...]
        o_ref[24:32, :] = tg_ref[...]


def _tc_partials(t2, xt):
    return pl.pallas_call(
        _loss_body,
        grid=(NV,),
        in_specs=[
            pl.BlockSpec((1, B), lambda v: (0, 0)),
            pl.BlockSpec((BV, B), lambda v: (v, 0)),
        ],
        out_specs=pl.BlockSpec((32, B), lambda v: (0, 0)),
        out_shape=jax.ShapeDtypeStruct((32, B), jnp.float32),
        scratch_shapes=[pltpu.VMEM((8, B), jnp.float32) for _ in range(4)],
    )(t2, xt)


def _sc_body(x_hbm, t_hbm, out_hbm, t_v, buf, stage, sem):
    w = lax.axis_index("s") * 2 + lax.axis_index("c")
    wc = w // NWR
    wr = w % NWR
    c0 = wc * 128
    pltpu.sync_copy(t_hbm.at[pl.ds(c0, 128)], t_v)
    iota = lax.iota(jnp.int32, 16)
    ts = [t_v[pl.ds(16 * c, 16)] for c in range(8)]
    ninf = jnp.full((16,), -jnp.inf, jnp.float32)
    zero = jnp.zeros((16,), jnp.float32)

    def chunk(i, carry):
        m = list(carry[0:8])
        s = list(carry[8:16])
        rs = list(carry[16:24])
        tg = list(carry[24:32])
        r0 = C_TC + wr * RPW + i * CH
        pltpu.async_copy(
            x_hbm.at[pl.ds(r0, CH), pl.ds(c0, 128)], buf, sem).wait()
        rel = [ts[c] - r0 for c in range(8)]

        def p1(r, c24):
            bm = list(c24[0:8])
            rl = list(c24[8:16])
            tl = list(c24[16:24])
            ri = jnp.full((16,), r, jnp.int32)
            for c in range(8):
                xc = buf[r, pl.ds(16 * c, 16)]
                bm[c] = jnp.maximum(bm[c], xc)
                rl[c] = rl[c] + xc
                tl[c] = tl[c] + jnp.where(rel[c] == ri, xc, 0.0)
            return tuple(bm) + tuple(rl) + tuple(tl)

        pc = lax.fori_loop(0, CH, p1, (ninf,) * 8 + (zero,) * 16)
        m2 = [jnp.maximum(m[c], pc[c]) for c in range(8)]
        s = [s[c] * jnp.exp(m[c] - m2[c]) for c in range(8)]

        def p2(r, c8):
            sl = list(c8)
            for c in range(8):
                sl[c] = sl[c] + jnp.exp(buf[r, pl.ds(16 * c, 16)] - m2[c])
            return tuple(sl)

        s = list(lax.fori_loop(0, CH, p2, tuple(s)))
        rs = [rs[c] + pc[8 + c] for c in range(8)]
        tg = [tg[c] + pc[16 + c] for c in range(8)]
        return tuple(m2) + tuple(s) + tuple(rs) + tuple(tg)

    res = lax.fori_loop(0, NCH, chunk, (ninf,) * 8 + (zero,) * 24)
    for k in range(4):
        for c in range(8):
            stage[pl.ds(k * 128 + 16 * c, 16)] = res[8 * k + c]
    for k in range(4):
        pltpu.sync_copy(
            stage.at[pl.ds(k * 128, 128)],
            out_hbm.at[pl.ds(k * NWR * B + wr * B + c0, 128)])


def _sc_partials(xt, targets):
    k = functools.partial(
        pl.kernel,
        mesh=plsc.VectorSubcoreMesh(core_axis_name="c", subcore_axis_name="s"),
        out_type=jax.ShapeDtypeStruct((4 * NWR * B,), jnp.float32),
        scratch_types=[
            pltpu.VMEM((128,), jnp.int32),
            pltpu.VMEM((CH, 128), jnp.float32),
            pltpu.VMEM((512,), jnp.float32),
            pltpu.SemaphoreType.DMA,
        ],
    )(_sc_body)
    return k(xt, targets)


def _merge_body(tc_ref, sc_ref, o_ref):
    tcp = tc_ref[...]
    scp = sc_ref[...]
    m8 = tcp[0:8, :]
    s8 = tcp[8:16, :]
    rs8 = tcp[16:24, :]
    tg8 = tcp[24:32, :]
    m_sc = scp[0:NWR, :]
    s_sc = scp[NWR:2 * NWR, :]
    rs_sc = scp[2 * NWR:3 * NWR, :]
    tg_sc = scp[3 * NWR:4 * NWR, :]
    m_col = jnp.maximum(jnp.max(m8, axis=0, keepdims=True),
                        jnp.max(m_sc, axis=0, keepdims=True))
    s_col = (jnp.sum(s8 * jnp.exp(m8 - m_col), axis=0, keepdims=True)
             + jnp.sum(s_sc * jnp.exp(m_sc - m_col), axis=0, keepdims=True))
    lse = m_col + jnp.log(s_col)
    rs_col = (jnp.sum(rs8, axis=0, keepdims=True)
              + jnp.sum(rs_sc, axis=0, keepdims=True))
    g_col = (jnp.sum(tg8, axis=0, keepdims=True)
             + jnp.sum(tg_sc, axis=0, keepdims=True))
    loss = -(SVAL * (rs_col - C * lse) + (CONF - SVAL) * (g_col - lse))
    o_ref[...] = jnp.reshape(jnp.sum(loss) / B, (1, 1))


def _merge(tcp, scp):
    return pl.pallas_call(
        _merge_body,
        in_specs=[
            pl.BlockSpec((32, B), lambda: (0, 0)),
            pl.BlockSpec((4 * NWR, B), lambda: (0, 0)),
        ],
        out_specs=pl.BlockSpec((1, 1), lambda: (0, 0)),
        out_shape=jax.ShapeDtypeStruct((1, 1), jnp.float32),
    )(tcp, scp)


def kernel(inputs, targets):
    xt = inputs.T
    t2 = targets.reshape(1, B)
    tcp = _tc_partials(t2, xt)
    scp = _sc_partials(xt, targets).reshape(4 * NWR, B)
    out = _merge(tcp, scp)
    return out[0, 0]

# --- scband reference (transcript-rebuilt; emitter-appended) ---
"""Pipeline reference for scband-label-smoothing-loss-28681791603357 (READ-ONLY COPY).

The authoritative reference and input builder live on the scoring server;
editing this copy changes nothing except your own understanding.
"""

import jax, jax.numpy as jnp
import numpy as np

NUM_CLASSES = 100000
SMOOTHING = 0.1
CONFIDENCE = 1.0 - SMOOTHING
BATCH = 1024


def setup_inputs(seed: int = 0) -> dict:
    key = jax.random.key(seed)
    k1, k2 = jax.random.split(key)
    inputs = jax.random.normal(k1, (BATCH, NUM_CLASSES), dtype=jnp.float32)
    targets = jax.random.randint(k2, (BATCH,), 0, NUM_CLASSES, dtype=jnp.int32)
    return {"inputs": inputs, "targets": targets}


def reference(inputs, targets):
    # log_softmax over class dim
    log_probs = jax.nn.log_softmax(inputs, axis=1)
    # build smoothed target distribution: smoothing/(C-1) everywhere,
    # confidence at the true class (scatter-overwrite)
    smooth_targets = jnp.full_like(log_probs, SMOOTHING / (NUM_CLASSES - 1))
    rows = jnp.arange(inputs.shape[0])
    smooth_targets = smooth_targets.at[rows, targets].set(CONFIDENCE)
    loss = -jnp.sum(smooth_targets * log_probs, axis=1)
    return jnp.mean(loss)

if __name__ == "__main__":
    import jax
    _d = setup_inputs()
    print(jax.jit(kernel)(*tuple(_d.values())))

</pallas_src>

<mosaic_0001>
#map = affine_map<(d0, d1) -> (0, 0)>
#map1 = affine_map<(d0, d1) -> (0)>
module attributes {stable_mosaic.version = 14 : i64} {
  func.func @_sc_body(%arg0: i32, %arg1: i32, %arg2: memref<100000x1024xf32, #tpu.memory_space<hbm>>, %arg3: memref<1024xi32, #tpu.memory_space<hbm>>, %arg4: memref<16384xf32, #tpu.memory_space<hbm>>, %arg5: memref<128xi32, #tpu.memory_space<vmem>>, %arg6: memref<400x128xf32, #tpu.memory_space<vmem>>, %arg7: memref<512xf32, #tpu.memory_space<vmem>>, %arg8: memref<!tpu.dma_semaphore, #tpu.memory_space<semaphore_mem>>) attributes {dimension_semantics = [#tpu.dimension_semantics<core_parallel>, #tpu.dimension_semantics<subcore_parallel>], iteration_bounds = array<i64: 2, 16>, scalar_prefetch = 0 : i64, scratch_operands = 4 : i64, tpu.core_type = #tpu.core_type<sc_vector_subcore>, window_params = [{transform_indices = #map}, {transform_indices = #map1}, {transform_indices = #map1}]} {
    %mul3A = arith.constant 2 : i32
    %mul3A_0 = arith.muli %arg1, %mul3A : i32
    %add3A = arith.addi %mul3A_0, %arg0 : i32
    %jit3A = arith.constant 4 : i32
    %div3A = arith.divsi %add3A, %jit3A : i32
    %sign3A = arith.constant 0 : i32
    %sign3A_1 = arith.cmpi sgt, %add3A, %sign3A : i32
    %sign3A_2 = arith.extui %sign3A_1 : i1 to i32
    %sign3A_3 = arith.constant 0 : i32
    %sign3A_4 = arith.cmpi slt, %add3A, %sign3A_3 : i32
    %sign3A_5 = arith.extui %sign3A_4 : i1 to i32
    %sign3A_6 = arith.subi %sign3A_2, %sign3A_5 : i32
    %sign3A_7 = arith.constant 0 : i32
    %sign3A_8 = arith.cmpi sgt, %jit3A, %sign3A_7 : i32
    %sign3A_9 = arith.extui %sign3A_8 : i1 to i32
    %sign3A_10 = arith.constant 0 : i32
    %sign3A_11 = arith.cmpi slt, %jit3A, %sign3A_10 : i32
    %sign3A_12 = arith.extui %sign3A_11 : i1 to i32
    %sign3A_13 = arith.subi %sign3A_9, %sign3A_12 : i32
    %ne3A = arith.cmpi ne, %sign3A_6, %sign3A_13 : i32
    %rem3A = arith.remsi %add3A, %jit3A : i32
    %ne3A_14 = arith.constant 0 : i32
    %ne3A_15 = arith.cmpi ne, %rem3A, %ne3A_14 : i32
    %and3A = arith.andi %ne3A, %ne3A_15 : i1
    %sub3A = arith.constant 1 : i32
    %sub3A_16 = arith.subi %div3A, %sub3A : i32
    %select_n3A = arith.select %and3A, %sub3A_16, %div3A : i32
    %jit3A_17 = arith.constant 4 : i32
    %eq3A = arith.constant 0 : i32
    %eq3A_18 = arith.cmpi eq, %jit3A_17, %eq3A : i32
    %jit3A_19 = arith.constant 1 : i32
    %select_n3A_20 = arith.select %eq3A_18, %jit3A_19, %jit3A_17 : i32
    %rem3A_21 = arith.remsi %add3A, %select_n3A_20 : i32
    %ne3A_22 = arith.constant 0 : i32
    %ne3A_23 = arith.cmpi ne, %rem3A_21, %ne3A_22 : i32
    %lt3A = arith.constant 0 : i32
    %lt3A_24 = arith.cmpi slt, %rem3A_21, %lt3A : i32
    %lt3A_25 = arith.constant 0 : i32
    %lt3A_26 = arith.cmpi slt, %select_n3A_20, %lt3A_25 : i32
    %ne3A_27 = arith.xori %lt3A_24, %lt3A_26 : i1
    %and3A_28 = arith.andi %ne3A_27, %ne3A_23 : i1
    %add3A_29 = arith.addi %rem3A_21, %select_n3A_20 : i32
    %select_n3A_30 = arith.select %and3A_28, %add3A_29, %rem3A_21 : i32
    %mul3A_31 = arith.constant 128 : i32
    %mul3A_32 = arith.muli %select_n3A, %mul3A_31 : i32
    "tpu.region"() ({
      %run_scoped3A = tpu.sem_alloc : memref<!tpu.dma_semaphore, #tpu.memory_space<semaphore_mem>>
      %dma_start3A = tpu.memref_slice %arg3[%mul3A_32] : memref<1024xi32, #tpu.memory_space<hbm>> -> memref<128xi32, #tpu.memory_space<hbm>>
      %dma_start3A_211 = tpu.memref_slice %arg3[%mul3A_32] : memref<1024xi32, #tpu.memory_space<hbm>> -> memref<128xi32, #tpu.memory_space<hbm>>
      tpu.enqueue_dma source(%dma_start3A_211 : memref<128xi32, #tpu.memory_space<hbm>>) target(%arg5 : memref<128xi32, #tpu.memory_space<vmem>>) target_semaphore(%run_scoped3A : memref<!tpu.dma_semaphore, #tpu.memory_space<semaphore_mem>>)
      %dma_wait3A = tpu.memref_slice %arg3[%mul3A_32] : memref<1024xi32, #tpu.memory_space<hbm>> -> memref<128xi32, #tpu.memory_space<hbm>>
      %dma_wait3A_212 = tpu.memref_slice %arg3[%mul3A_32] : memref<1024xi32, #tpu.memory_space<hbm>> -> memref<128xi32, #tpu.memory_space<hbm>>
      tpu.wait_dma2 semaphore(%run_scoped3A : memref<!tpu.dma_semaphore, #tpu.memory_space<semaphore_mem>>) src(%dma_wait3A_212 : memref<128xi32, #tpu.memory_space<hbm>>) dst(%arg5 : memref<128xi32, #tpu.memory_space<vmem>>)
      tpu.yield
    }) : () -> ()
    %iota3A = tpu.iota {dimensions = array<i32: 0>} : vector<16xi32>
    %get3A = arith.constant 0 : index
    %get3A_33 = tpu.vector_load %arg5[%get3A] {strides = array<i32>} : memref<128xi32, #tpu.memory_space<vmem>>, vector<16xi32>,
    %get3A_34 = vector.shape_cast %get3A_33 : vector<16xi32> to vector<16xi32>
    %get3A_35 = arith.constant 16 : index
    %get3A_36 = tpu.vector_load %arg5[%get3A_35] {strides = array<i32>} : memref<128xi32, #tpu.memory_space<vmem>>, vector<16xi32>,
    %get3A_37 = vector.shape_cast %get3A_36 : vector<16xi32> to vector<16xi32>
    %get3A_38 = arith.constant 32 : index
    %get3A_39 = tpu.vector_load %arg5[%get3A_38] {strides = array<i32>} : memref<128xi32, #tpu.memory_space<vmem>>, vector<16xi32>,
    %get3A_40 = vector.shape_cast %get3A_39 : vector<16xi32> to vector<16xi32>
    %get3A_41 = arith.constant 48 : index
    %get3A_42 = tpu.vector_load %arg5[%get3A_41] {strides = array<i32>} : memref<128xi32, #tpu.memory_space<vmem>>, vector<16xi32>,
    %get3A_43 = vector.shape_cast %get3A_42 : vector<16xi32> to vector<16xi32>
    %get3A_44 = arith.constant 64 : index
    %get3A_45 = tpu.vector_load %arg5[%get3A_44] {strides = array<i32>} : memref<128xi32, #tpu.memory_space<vmem>>, vector<16xi32>,
    %get3A_46 = vector.shape_cast %get3A_45 : vector<16xi32> to vector<16xi32>
    %get3A_47 = arith.constant 80 : index
    %get3A_48 = tpu.vector_load %arg5[%get3A_47] {strides = array<i32>} : memref<128xi32, #tpu.memory_space<vmem>>, vector<16xi32>,
    %get3A_49 = vector.shape_cast %get3A_48 : vector<16xi32> to vector<16xi32>
    %get3A_50 = arith.constant 96 : index
    %get3A_51 = tpu.vector_load %arg5[%get3A_50] {strides = array<i32>} : memref<128xi32, #tpu.memory_space<vmem>>, vector<16xi32>,
    %get3A_52 = vector.shape_cast %get3A_51 : vector<16xi32> to vector<16xi32>
    %get3A_53 = arith.constant 112 : index
    %get3A_54 = tpu.vector_load %arg5[%get3A_53] {strides = array<i32>} : memref<128xi32, #tpu.memory_space<vmem>>, vector<16xi32>,
    %get3A_55 = vector.shape_cast %get3A_54 : vector<16xi32> to vector<16xi32>
    %broadcast_in_dim3A = arith.constant 0xFF800000 : f32
    %broadcast_in_dim3A_56 = vector.broadcast %broadcast_in_dim3A : f32 to vector<16xf32>
    %broadcast_in_dim3A_57 = arith.constant 0.000000e+00 : f32
    %broadcast_in_dim3A_58 = vector.broadcast %broadcast_in_dim3A_57 : f32 to vector<16xf32>
    %scan3A = arith.constant 0 : i32
    %scan3A_59 = arith.constant 22 : i32
    %scan3A_60 = arith.addi %scan3A, %scan3A_59 : i32
    %scan3A_61 = arith.constant 1 : i32
    %scan3A_62:32 = scf.for %scan3A_211 = %scan3A to %scan3A_60 step %scan3A_61 iter_args(%scan3A_212 = %broadcast_in_dim3A_56, %scan3A_213 = %broadcast_in_dim3A_56, %scan3A_214 = %broadcast_in_dim3A_56, %scan3A_215 = %broadcast_in_dim3A_56, %scan3A_216 = %broadcast_in_dim3A_56, %scan3A_217 = %broadcast_in_dim3A_56, %scan3A_218 = %broadcast_in_dim3A_56, %scan3A_219 = %broadcast_in_dim3A_56, %scan3A_220 = %broadcast_in_dim3A_58, %scan3A_221 = %broadcast_in_dim3A_58, %scan3A_222 = %broadcast_in_dim3A_58, %scan3A_223 = %broadcast_in_dim3A_58, %scan3A_224 = %broadcast_in_dim3A_58, %scan3A_225 = %broadcast_in_dim3A_58, %scan3A_226 = %broadcast_in_dim3A_58, %scan3A_227 = %broadcast_in_dim3A_58, %scan3A_228 = %broadcast_in_dim3A_58, %scan3A_229 = %broadcast_in_dim3A_58, %scan3A_230 = %broadcast_in_dim3A_58, %scan3A_231 = %broadcast_in_dim3A_58, %scan3A_232 = %broadcast_in_dim3A_58, %scan3A_233 = %broadcast_in_dim3A_58, %scan3A_234 = %broadcast_in_dim3A_58, %scan3A_235 = %broadcast_in_dim3A_58, %scan3A_236 = %broadcast_in_dim3A_58, %scan3A_237 = %broadcast_in_dim3A_58, %scan3A_238 = %broadcast_in_dim3A_58, %scan3A_239 = %broadcast_in_dim3A_58, %scan3A_240 = %broadcast_in_dim3A_58, %scan3A_241 = %broadcast_in_dim3A_58, %scan3A_242 = %broadcast_in_dim3A_58, %scan3A_243 = %broadcast_in_dim3A_58) -> (vector<16xf32>, vector<16xf32>, vector<16xf32>, vector<16xf32>, vector<16xf32>, vector<16xf32>, vector<16xf32>, vector<16xf32>, vector<16xf32>, vector<16xf32>, vector<16xf32>, vector<16xf32>, vector<16xf32>, vector<16xf32>, vector<16xf32>, vector<16xf32>, vector<16xf32>, vector<16xf32>, vector<16xf32>, vector<16xf32>, vector<16xf32>, vector<16xf32>, vector<16xf32>, vector<16xf32>, vector<16xf32>, vector<16xf32>, vector<16xf32>, vector<16xf32>, vector<16xf32>, vector<16xf32>, vector<16xf32>, vector<16xf32>)  : i32 {
      %mul3A_244 = arith.constant 8800 : i32
      %mul3A_245 = arith.muli %select_n3A_30, %mul3A_244 : i32
      %add3A_246 = arith.constant 64800 : i32
      %add3A_247 = arith.addi %add3A_246, %mul3A_245 : i32
      %mul3A_248 = arith.constant 400 : i32
      %mul3A_249 = arith.muli %scan3A_211, %mul3A_248 : i32
      %add3A_250 = arith.addi %add3A_247, %mul3A_249 : i32
      %dma_start3A = tpu.memref_slice %arg2[%add3A_250, %mul3A_32] : memref<100000x1024xf32, #tpu.memory_space<hbm>> -> memref<400x128xf32, #tpu.memory_space<hbm>>
      %dma_start3A_251 = tpu.memref_slice %arg2[%add3A_250, %mul3A_32] : memref<100000x1024xf32, #tpu.memory_space<hbm>> -> memref<400x128xf32, #tpu.memory_space<hbm>>
      tpu.enqueue_dma source(%dma_start3A_251 : memref<400x128xf32, #tpu.memory_space<hbm>>) target(%arg6 : memref<400x128xf32, #tpu.memory_space<vmem>>) target_semaphore(%arg8 : memref<!tpu.dma_semaphore, #tpu.memory_space<semaphore_mem>>)
      %dma_wait3A = tpu.memref_slice %arg2[%add3A_250, %mul3A_32] : memref<100000x1024xf32, #tpu.memory_space<hbm>> -> memref<400x128xf32, #tpu.memory_space<hbm>>
      %dma_wait3A_252 = tpu.memref_slice %arg2[%add3A_250, %mul3A_32] : memref<100000x1024xf32, #tpu.memory_space<hbm>> -> memref<400x128xf32, #tpu.memory_space<hbm>>
      tpu.wait_dma2 semaphore(%arg8 : memref<!tpu.dma_semaphore, #tpu.memory_space<semaphore_mem>>) src(%dma_wait3A_252 : memref<400x128xf32, #tpu.memory_space<hbm>>) dst(%arg6 : memref<400x128xf32, #tpu.memory_space<vmem>>)
      %sub3A_253 = vector.broadcast %add3A_250 : i32 to vector<16xi32>
      %sub3A_254 = arith.subi %get3A_34, %sub3A_253 : vector<16xi32>
      %sub3A_255 = vector.broadcast %add3A_250 : i32 to vector<16xi32>
      %sub3A_256 = arith.subi %get3A_37, %sub3A_255 : vector<16xi32>
      %sub3A_257 = vector.broadcast %add3A_250 : i32 to vector<16xi32>
      %sub3A_258 = arith.subi %get3A_40, %sub3A_257 : vector<16xi32>
      %sub3A_259 = vector.broadcast %add3A_250 : i32 to vector<16xi32>
      %sub3A_260 = arith.subi %get3A_43, %sub3A_259 : vector<16xi32>
      %sub3A_261 = vector.broadcast %add3A_250 : i32 to vector<16xi32>
      %sub3A_262 = arith.subi %get3A_46, %sub3A_261 : vector<16xi32>
      %sub3A_263 = vector.broadcast %add3A_250 : i32 to vector<16xi32>
      %sub3A_264 = arith.subi %get3A_49, %sub3A_263 : vector<16xi32>
      %sub3A_265 = vector.broadcast %add3A_250 : i32 to vector<16xi32>
      %sub3A_266 = arith.subi %get3A_52, %sub3A_265 : vector<16xi32>
      %sub3A_267 = vector.broadcast %add3A_250 : i32 to vector<16xi32>
      %sub3A_268 = arith.subi %get3A_55, %sub3A_267 : vector<16xi32>
      %scan3A_269 = arith.constant 0 : i32
      %scan3A_270 = arith.constant 400 : i32
      %scan3A_271 = arith.addi %scan3A_269, %scan3A_270 : i32
      %scan3A_272 = arith.constant 1 : i32
      %scan3A_273:24 = scf.for %scan3A_327 = %scan3A_269 to %scan3A_271 step %scan3A_272 iter_args(%scan3A_328 = %broadcast_in_dim3A_56, %scan3A_329 = %broadcast_in_dim3A_56, %scan3A_330 = %broadcast_in_dim3A_56, %scan3A_331 = %broadcast_in_dim3A_56, %scan3A_332 = %broadcast_in_dim3A_56, %scan3A_333 = %broadcast_in_dim3A_56, %scan3A_334 = %broadcast_in_dim3A_56, %scan3A_335 = %broadcast_in_dim3A_56, %scan3A_336 = %broadcast_in_dim3A_58, %scan3A_337 = %broadcast_in_dim3A_58, %scan3A_338 = %broadcast_in_dim3A_58, %scan3A_339 = %broadcast_in_dim3A_58, %scan3A_340 = %broadcast_in_dim3A_58, %scan3A_341 = %broadcast_in_dim3A_58, %scan3A_342 = %broadcast_in_dim3A_58, %scan3A_343 = %broadcast_in_dim3A_58, %scan3A_344 = %broadcast_in_dim3A_58, %scan3A_345 = %broadcast_in_dim3A_58, %scan3A_346 = %broadcast_in_dim3A_58, %scan3A_347 = %broadcast_in_dim3A_58, %scan3A_348 = %broadcast_in_dim3A_58, %scan3A_349 = %broadcast_in_dim3A_58, %scan3A_350 = %broadcast_in_dim3A_58, %scan3A_351 = %broadcast_in_dim3A_58) -> (vector<16xf32>, vector<16xf32>, vector<16xf32>, vector<16xf32>, vector<16xf32>, vector<16xf32>, vector<16xf32>, vector<16xf32>, vector<16xf32>, vector<16xf32>, vector<16xf32>, vector<16xf32>, vector<16xf32>, vector<16xf32>, vector<16xf32>, vector<16xf32>, vector<16xf32>, vector<16xf32>, vector<16xf32>, vector<16xf32>, vector<16xf32>, vector<16xf32>, vector<16xf32>, vector<16xf32>)  : i32 {
        %broadcast_in_dim3A_352 = vector.broadcast %scan3A_327 : i32 to vector<16xi32>
        %get3A_353 = arith.index_cast %scan3A_327 : i32 to index
        %get3A_354 = arith.constant 0 : index
        %get3A_355 = tpu.vector_load %arg6[%get3A_353, %get3A_354] {strides = array<i32>} : memref<400x128xf32, #tpu.memory_space<vmem>>, vector<1x16xf32>,
        %get3A_356 = vector.shape_cast %get3A_355 : vector<1x16xf32> to vector<16xf32>
        %max3A_357 = arith.maximumf %scan3A_328, %get3A_356 : vector<16xf32>
        %add3A_358 = arith.addf %scan3A_336, %get3A_356 : vector<16xf32>
        %eq3A_359 = arith.cmpi eq, %sub3A_254, %broadcast_in_dim3A_352 : vector<16xi32>
        %jit3A_360 = arith.constant 0.000000e+00 : f32
        %broadcast_in_dim3A_361 = vector.broadcast %jit3A_360 : f32 to vector<16xf32>
        %select_n3A_362 = arith.select %eq3A_359, %get3A_356, %broadcast_in_dim3A_361 : vector<16xi1>, vector<16xf32>
        %add3A_363 = arith.addf %scan3A_344, %select_n3A_362 : vector<16xf32>
        %get3A_364 = arith.index_cast %scan3A_327 : i32 to index
        %get3A_365 = arith.constant 16 : index
        %get3A_366 = tpu.vector_load %arg6[%get3A_364, %get3A_365] {strides = array<i32>} : memref<400x128xf32, #tpu.memory_space<vmem>>, vector<1x16xf32>,
        %get3A_367 = vector.shape_cast %get3A_366 : vector<1x16xf32> to vector<16xf32>
        %max3A_368 = arith.maximumf %scan3A_329, %get3A_367 : vector<16xf32>
        %add3A_369 = arith.addf %scan3A_337, %get3A_367 : vector<16xf32>
        %eq3A_370 = arith.cmpi eq, %sub3A_256, %broadcast_in_dim3A_352 : vector<16xi32>
        %jit3A_371 = arith.constant 0.000000e+00 : f32
        %broadcast_in_dim3A_372 = vector.broadcast %jit3A_371 : f32 to vector<16xf32>
        %select_n3A_373 = arith.select %eq3A_370, %get3A_367, %broadcast_in_dim3A_372 : vector<16xi1>, vector<16xf32>
        %add3A_374 = arith.addf %scan3A_345, %select_n3A_373 : vector<16xf32>
        %get3A_375 = arith.index_cast %scan3A_327 : i32 to index
        %get3A_376 = arith.constant 32 : index
        %get3A_377 = tpu.vector_load %arg6[%get3A_375, %get3A_376] {strides = array<i32>} : memref<400x128xf32, #tpu.memory_space<vmem>>, vector<1x16xf32>,
        %get3A_378 = vector.shape_cast %get3A_377 : vector<1x16xf32> to vector<16xf32>
        %max3A_379 = arith.maximumf %scan3A_330, %get3A_378 : vector<16xf32>
        %add3A_380 = arith.addf %scan3A_338, %get3A_378 : vector<16xf32>
        %eq3A_381 = arith.cmpi eq, %sub3A_258, %broadcast_in_dim3A_352 : vector<16xi32>
        %jit3A_382 = arith.constant 0.000000e+00 : f32
        %broadcast_in_dim3A_383 = vector.broadcast %jit3A_382 : f32 to vector<16xf32>
        %select_n3A_384 = arith.select %eq3A_381, %get3A_378, %broadcast_in_dim3A_383 : vector<16xi1>, vector<16xf32>
        %add3A_385 = arith.addf %scan3A_346, %select_n3A_384 : vector<16xf32>
        %get3A_386 = arith.index_cast %scan3A_327 : i32 to index
        %get3A_387 = arith.constant 48 : index
        %get3A_388 = tpu.vector_load %arg6[%get3A_386, %get3A_387] {strides = array<i32>} : memref<400x128xf32, #tpu.memory_space<vmem>>, vector<1x16xf32>,
        %get3A_389 = vector.shape_cast %get3A_388 : vector<1x16xf32> to vector<16xf32>
        %max3A_390 = arith.maximumf %scan3A_331, %get3A_389 : vector<16xf32>
        %add3A_391 = arith.addf %scan3A_339, %get3A_389 : vector<16xf32>
        %eq3A_392 = arith.cmpi eq, %sub3A_260, %broadcast_in_dim3A_352 : vector<16xi32>
        %jit3A_393 = arith.constant 0.000000e+00 : f32
        %broadcast_in_dim3A_394 = vector.broadcast %jit3A_393 : f32 to vector<16xf32>
        %select_n3A_395 = arith.select %eq3A_392, %get3A_389, %broadcast_in_dim3A_394 : vector<16xi1>, vector<16xf32>
        %add3A_396 = arith.addf %scan3A_347, %select_n3A_395 : vector<16xf32>
        %get3A_397 = arith.index_cast %scan3A_327 : i32 to index
        %get3A_398 = arith.constant 64 : index
        %get3A_399 = tpu.vector_load %arg6[%get3A_397, %get3A_398] {strides = array<i32>} : memref<400x128xf32, #tpu.memory_space<vmem>>, vector<1x16xf32>,
        %get3A_400 = vector.shape_cast %get3A_399 : vector<1x16xf32> to vector<16xf32>
        %max3A_401 = arith.maximumf %scan3A_332, %get3A_400 : vector<16xf32>
        %add3A_402 = arith.addf %scan3A_340, %get3A_400 : vector<16xf32>
        %eq3A_403 = arith.cmpi eq, %sub3A_262, %broadcast_in_dim3A_352 : vector<16xi32>
        %jit3A_404 = arith.constant 0.000000e+00 : f32
        %broadcast_in_dim3A_405 = vector.broadcast %jit3A_404 : f32 to vector<16xf32>
        %select_n3A_406 = arith.select %eq3A_403, %get3A_400, %broadcast_in_dim3A_405 : vector<16xi1>, vector<16xf32>
        %add3A_407 = arith.addf %scan3A_348, %select_n3A_406 : vector<16xf32>
        %get3A_408 = arith.index_cast %scan3A_327 : i32 to index
        %get3A_409 = arith.constant 80 : index
        %get3A_410 = tpu.vector_load %arg6[%get3A_408, %get3A_409] {strides = array<i32>} : memref<400x128xf32, #tpu.memory_space<vmem>>, vector<1x16xf32>,
        %get3A_411 = vector.shape_cast %get3A_410 : vector<1x16xf32> to vector<16xf32>
        %max3A_412 = arith.maximumf %scan3A_333, %get3A_411 : vector<16xf32>
        %add3A_413 = arith.addf %scan3A_341, %get3A_411 : vector<16xf32>
        %eq3A_414 = arith.cmpi eq, %sub3A_264, %broadcast_in_dim3A_352 : vector<16xi32>
        %jit3A_415 = arith.constant 0.000000e+00 : f32
        %broadcast_in_dim3A_416 = vector.broadcast %jit3A_415 : f32 to vector<16xf32>
        %select_n3A_417 = arith.select %eq3A_414, %get3A_411, %broadcast_in_dim3A_416 : vector<16xi1>, vector<16xf32>
        %add3A_418 = arith.addf %scan3A_349, %select_n3A_417 : vector<16xf32>
        %get3A_419 = arith.index_cast %scan3A_327 : i32 to index
        %get3A_420 = arith.constant 96 : index
        %get3A_421 = tpu.vector_load %arg6[%get3A_419, %get3A_420] {strides = array<i32>} : memref<400x128xf32, #tpu.memory_space<vmem>>, vector<1x16xf32>,
        %get3A_422 = vector.shape_cast %get3A_421 : vector<1x16xf32> to vector<16xf32>
        %max3A_423 = arith.maximumf %scan3A_334, %get3A_422 : vector<16xf32>
        %add3A_424 = arith.addf %scan3A_342, %get3A_422 : vector<16xf32>
        %eq3A_425 = arith.cmpi eq, %sub3A_266, %broadcast_in_dim3A_352 : vector<16xi32>
        %jit3A_426 = arith.constant 0.000000e+00 : f32
        %broadcast_in_dim3A_427 = vector.broadcast %jit3A_426 : f32 to vector<16xf32>
        %select_n3A_428 = arith.select %eq3A_425, %get3A_422, %broadcast_in_dim3A_427 : vector<16xi1>, vector<16xf32>
        %add3A_429 = arith.addf %scan3A_350, %select_n3A_428 : vector<16xf32>
        %get3A_430 = arith.index_cast %scan3A_327 : i32 to index
        %get3A_431 = arith.constant 112 : index
        %get3A_432 = tpu.vector_load %arg6[%get3A_430, %get3A_431] {strides = array<i32>} : memref<400x128xf32, #tpu.memory_space<vmem>>, vector<1x16xf32>,
        %get3A_433 = vector.shape_cast %get3A_432 : vector<1x16xf32> to vector<16xf32>
        %max3A_434 = arith.maximumf %scan3A_335, %get3A_433 : vector<16xf32>
        %add3A_435 = arith.addf %scan3A_343, %get3A_433 : vector<16xf32>
        %eq3A_436 = arith.cmpi eq, %sub3A_268, %broadcast_in_dim3A_352 : vector<16xi32>
        %jit3A_437 = arith.constant 0.000000e+00 : f32
        %broadcast_in_dim3A_438 = vector.broadcast %jit3A_437 : f32 to vector<16xf32>
        %select_n3A_439 = arith.select %eq3A_436, %get3A_433, %broadcast_in_dim3A_438 : vector<16xi1>, vector<16xf32>
        %add3A_440 = arith.addf %scan3A_351, %select_n3A_439 : vector<16xf32>
        scf.yield %max3A_357, %max3A_368, %max3A_379, %max3A_390, %max3A_401, %max3A_412, %max3A_423, %max3A_434, %add3A_358, %add3A_369, %add3A_380, %add3A_391, %add3A_402, %add3A_413, %add3A_424, %add3A_435, %add3A_363, %add3A_374, %add3A_385, %add3A_396, %add3A_407, %add3A_418, %add3A_429, %add3A_440 : vector<16xf32>, vector<16xf32>, vector<16xf32>, vector<16xf32>, vector<16xf32>, vector<16xf32>, vector<16xf32>, vector<16xf32>, vector<16xf32>, vector<16xf32>, vector<16xf32>, vector<16xf32>, vector<16xf32>, vector<16xf32>, vector<16xf32>, vector<16xf32>, vector<16xf32>, vector<16xf32>, vector<16xf32>, vector<16xf32>, vector<16xf32>, vector<16xf32>, vector<16xf32>, vector<16xf32>
      }
      %scan3A_274 = arith.constant 400 : i32
      %max3A = arith.maximumf %scan3A_212, %scan3A_273#0 : vector<16xf32>
      %max3A_275 = arith.maximumf %scan3A_213, %scan3A_273#1 : vector<16xf32>
      %max3A_276 = arith.maximumf %scan3A_214, %scan3A_273#2 : vector<16xf32>
      %max3A_277 = arith.maximumf %scan3A_215, %scan3A_273#3 : vector<16xf32>
      %max3A_278 = arith.maximumf %scan3A_216, %scan3A_273#4 : vector<16xf32>
      %max3A_279 = arith.maximumf %scan3A_217, %scan3A_273#5 : vector<16xf32>
      %max3A_280 = arith.maximumf %scan3A_218, %scan3A_273#6 : vector<16xf32>
      %max3A_281 = arith.maximumf %scan3A_219, %scan3A_273#7 : vector<16xf32>
      %sub3A_282 = arith.subf %scan3A_212, %max3A : vector<16xf32>
      %exp3A = math.exp %sub3A_282 : vector<16xf32>
      %mul3A_283 = arith.mulf %scan3A_220, %exp3A : vector<16xf32>
      %sub3A_284 = arith.subf %scan3A_213, %max3A_275 : vector<16xf32>
      %exp3A_285 = math.exp %sub3A_284 : vector<16xf32>
      %mul3A_286 = arith.mulf %scan3A_221, %exp3A_285 : vector<16xf32>
      %sub3A_287 = arith.subf %scan3A_214, %max3A_276 : vector<16xf32>
      %exp3A_288 = math.exp %sub3A_287 : vector<16xf32>
      %mul3A_289 = arith.mulf %scan3A_222, %exp3A_288 : vector<16xf32>
      %sub3A_290 = arith.subf %scan3A_215, %max3A_277 : vector<16xf32>
      %exp3A_291 = math.exp %sub3A_290 : vector<16xf32>
      %mul3A_292 = arith.mulf %scan3A_223, %exp3A_291 : vector<16xf32>
      %sub3A_293 = arith.subf %scan3A_216, %max3A_278 : vector<16xf32>
      %exp3A_294 = math.exp %sub3A_293 : vector<16xf32>
      %mul3A_295 = arith.mulf %scan3A_224, %exp3A_294 : vector<16xf32>
      %sub3A_296 = arith.subf %scan3A_217, %max3A_279 : vector<16xf32>
      %exp3A_297 = math.exp %sub3A_296 : vector<16xf32>
      %mul3A_298 = arith.mulf %scan3A_225, %exp3A_297 : vector<16xf32>
      %sub3A_299 = arith.subf %scan3A_218, %max3A_280 : vector<16xf32>
      %exp3A_300 = math.exp %sub3A_299 : vector<16xf32>
      %mul3A_301 = arith.mulf %scan3A_226, %exp3A_300 : vector<16xf32>
      %sub3A_302 = arith.subf %scan3A_219, %max3A_281 : vector<16xf32>
      %exp3A_303 = math.exp %sub3A_302 : vector<16xf32>
      %mul3A_304 = arith.mulf %scan3A_227, %exp3A_303 : vector<16xf32>
      %scan3A_305 = arith.constant 0 : i32
      %scan3A_306 = arith.constant 400 : i32
      %scan3A_307 = arith.addi %scan3A_305, %scan3A_306 : i32
      %scan3A_308 = arith.constant 1 : i32
      %scan3A_309:8 = scf.for %scan3A_327 = %scan3A_305 to %scan3A_307 step %scan3A_308 iter_args(%scan3A_328 = %mul3A_283, %scan3A_329 = %mul3A_286, %scan3A_330 = %mul3A_289, %scan3A_331 = %mul3A_292, %scan3A_332 = %mul3A_295, %scan3A_333 = %mul3A_298, %scan3A_334 = %mul3A_301, %scan3A_335 = %mul3A_304) -> (vector<16xf32>, vector<16xf32>, vector<16xf32>, vector<16xf32>, vector<16xf32>, vector<16xf32>, vector<16xf32>, vector<16xf32>)  : i32 {
        %get3A_336 = arith.index_cast %scan3A_327 : i32 to index
        %get3A_337 = arith.constant 0 : index
        %get3A_338 = tpu.vector_load %arg6[%get3A_336, %get3A_337] {strides = array<i32>} : memref<400x128xf32, #tpu.memory_space<vmem>>, vector<1x16xf32>,
        %get3A_339 = vector.shape_cast %get3A_338 : vector<1x16xf32> to vector<16xf32>
        %sub3A_340 = arith.subf %get3A_339, %max3A : vector<16xf32>
        %exp3A_341 = math.exp %sub3A_340 : vector<16xf32>
        %add3A_342 = arith.addf %scan3A_328, %exp3A_341 : vector<16xf32>
        %get3A_343 = arith.index_cast %scan3A_327 : i32 to index
        %get3A_344 = arith.constant 16 : index
        %get3A_345 = tpu.vector_load %arg6[%get3A_343, %get3A_344] {strides = array<i32>} : memref<400x128xf32, #tpu.memory_space<vmem>>, vector<1x16xf32>,
        %get3A_346 = vector.shape_cast %get3A_345 : vector<1x16xf32> to vector<16xf32>
        %sub3A_347 = arith.subf %get3A_346, %max3A_275 : vector<16xf32>
        %exp3A_348 = math.exp %sub3A_347 : vector<16xf32>
        %add3A_349 = arith.addf %scan3A_329, %exp3A_348 : vector<16xf32>
        %get3A_350 = arith.index_cast %scan3A_327 : i32 to index
        %get3A_351 = arith.constant 32 : index
        %get3A_352 = tpu.vector_load %arg6[%get3A_350, %get3A_351] {strides = array<i32>} : memref<400x128xf32, #tpu.memory_space<vmem>>, vector<1x16xf32>,
        %get3A_353 = vector.shape_cast %get3A_352 : vector<1x16xf32> to vector<16xf32>
        %sub3A_354 = arith.subf %get3A_353, %max3A_276 : vector<16xf32>
        %exp3A_355 = math.exp %sub3A_354 : vector<16xf32>
        %add3A_356 = arith.addf %scan3A_330, %exp3A_355 : vector<16xf32>
        %get3A_357 = arith.index_cast %scan3A_327 : i32 to index
        %get3A_358 = arith.constant 48 : index
        %get3A_359 = tpu.vector_load %arg6[%get3A_357, %get3A_358] {strides = array<i32>} : memref<400x128xf32, #tpu.memory_space<vmem>>, vector<1x16xf32>,
        %get3A_360 = vector.shape_cast %get3A_359 : vector<1x16xf32> to vector<16xf32>
        %sub3A_361 = arith.subf %get3A_360, %max3A_277 : vector<16xf32>
        %exp3A_362 = math.exp %sub3A_361 : vector<16xf32>
        %add3A_363 = arith.addf %scan3A_331, %exp3A_362 : vector<16xf32>
        %get3A_364 = arith.index_cast %scan3A_327 : i32 to index
        %get3A_365 = arith.constant 64 : index
        %get3A_366 = tpu.vector_load %arg6[%get3A_364, %get3A_365] {strides = array<i32>} : memref<400x128xf32, #tpu.memory_space<vmem>>, vector<1x16xf32>,
        %get3A_367 = vector.shape_cast %get3A_366 : vector<1x16xf32> to vector<16xf32>
        %sub3A_368 = arith.subf %get3A_367, %max3A_278 : vector<16xf32>
        %exp3A_369 = math.exp %sub3A_368 : vector<16xf32>
        %add3A_370 = arith.addf %scan3A_332, %exp3A_369 : vector<16xf32>
        %get3A_371 = arith.index_cast %scan3A_327 : i32 to index
        %get3A_372 = arith.constant 80 : index
        %get3A_373 = tpu.vector_load %arg6[%get3A_371, %get3A_372] {strides = array<i32>} : memref<400x128xf32, #tpu.memory_space<vmem>>, vector<1x16xf32>,
        %get3A_374 = vector.shape_cast %get3A_373 : vector<1x16xf32> to vector<16xf32>
        %sub3A_375 = arith.subf %get3A_374, %max3A_279 : vector<16xf32>
        %exp3A_376 = math.exp %sub3A_375 : vector<16xf32>
        %add3A_377 = arith.addf %scan3A_333, %exp3A_376 : vector<16xf32>
        %get3A_378 = arith.index_cast %scan3A_327 : i32 to index
        %get3A_379 = arith.constant 96 : index
        %get3A_380 = tpu.vector_load %arg6[%get3A_378, %get3A_379] {strides = array<i32>} : memref<400x128xf32, #tpu.memory_space<vmem>>, vector<1x16xf32>,
        %get3A_381 = vector.shape_cast %get3A_380 : vector<1x16xf32> to vector<16xf32>
        %sub3A_382 = arith.subf %get3A_381, %max3A_280 : vector<16xf32>
        %exp3A_383 = math.exp %sub3A_382 : vector<16xf32>
        %add3A_384 = arith.addf %scan3A_334, %exp3A_383 : vector<16xf32>
        %get3A_385 = arith.index_cast %scan3A_327 : i32 to index
        %get3A_386 = arith.constant 112 : index
        %get3A_387 = tpu.vector_load %arg6[%get3A_385, %get3A_386] {strides = array<i32>} : memref<400x128xf32, #tpu.memory_space<vmem>>, vector<1x16xf32>,
        %get3A_388 = vector.shape_cast %get3A_387 : vector<1x16xf32> to vector<16xf32>
        %sub3A_389 = arith.subf %get3A_388, %max3A_281 : vector<16xf32>
        %exp3A_390 = math.exp %sub3A_389 : vector<16xf32>
        %add3A_391 = arith.addf %scan3A_335, %exp3A_390 : vector<16xf32>
        scf.yield %add3A_342, %add3A_349, %add3A_356, %add3A_363, %add3A_370, %add3A_377, %add3A_384, %add3A_391 : vector<16xf32>, vector<16xf32>, vector<16xf32>, vector<16xf32>, vector<16xf32>, vector<16xf32>, vector<16xf32>, vector<16xf32>
      }
      %scan3A_310 = arith.constant 400 : i32
      %add3A_311 = arith.addf %scan3A_228, %scan3A_273#8 : vector<16xf32>
      %add3A_312 = arith.addf %scan3A_229, %scan3A_273#9 : vector<16xf32>
      %add3A_313 = arith.addf %scan3A_230, %scan3A_273#10 : vector<16xf32>
      %add3A_314 = arith.addf %scan3A_231, %scan3A_273#11 : vector<16xf32>
      %add3A_315 = arith.addf %scan3A_232, %scan3A_273#12 : vector<16xf32>
      %add3A_316 = arith.addf %scan3A_233, %scan3A_273#13 : vector<16xf32>
      %add3A_317 = arith.addf %scan3A_234, %scan3A_273#14 : vector<16xf32>
      %add3A_318 = arith.addf %scan3A_235, %scan3A_273#15 : vector<16xf32>
      %add3A_319 = arith.addf %scan3A_236, %scan3A_273#16 : vector<16xf32>
      %add3A_320 = arith.addf %scan3A_237, %scan3A_273#17 : vector<16xf32>
      %add3A_321 = arith.addf %scan3A_238, %scan3A_273#18 : vector<16xf32>
      %add3A_322 = arith.addf %scan3A_239, %scan3A_273#19 : vector<16xf32>
      %add3A_323 = arith.addf %scan3A_240, %scan3A_273#20 : vector<16xf32>
      %add3A_324 = arith.addf %scan3A_241, %scan3A_273#21 : vector<16xf32>
      %add3A_325 = arith.addf %scan3A_242, %scan3A_273#22 : vector<16xf32>
      %add3A_326 = arith.addf %scan3A_243, %scan3A_273#23 : vector<16xf32>
      scf.yield %max3A, %max3A_275, %max3A_276, %max3A_277, %max3A_278, %max3A_279, %max3A_280, %max3A_281, %scan3A_309#0, %scan3A_309#1, %scan3A_309#2, %scan3A_309#3, %scan3A_309#4, %scan3A_309#5, %scan3A_309#6, %scan3A_309#7, %add3A_311, %add3A_312, %add3A_313, %add3A_314, %add3A_315, %add3A_316, %add3A_317, %add3A_318, %add3A_319, %add3A_320, %add3A_321, %add3A_322, %add3A_323, %add3A_324, %add3A_325, %add3A_326 : vector<16xf32>, vector<16xf32>, vector<16xf32>, vector<16xf32>, vector<16xf32>, vector<16xf32>, vector<16xf32>, vector<16xf32>, vector<16xf32>, vector<16xf32>, vector<16xf32>, vector<16xf32>, vector<16xf32>, vector<16xf32>, vector<16xf32>, vector<16xf32>, vector<16xf32>, vector<16xf32>, vector<16xf32>, vector<16xf32>, vector<16xf32>, vector<16xf32>, vector<16xf32>, vector<16xf32>, vector<16xf32>, vector<16xf32>, vector<16xf32>, vector<16xf32>, vector<16xf32>, vector<16xf32>, vector<16xf32>, vector<16xf32>
    }
    %scan3A_63 = arith.constant 22 : i32
    %swap3A = arith.constant 0 : index
    %swap3A_64 = tpu.vector_load %arg7[%swap3A] {strides = array<i32>} : memref<512xf32, #tpu.memory_space<vmem>>, vector<16xf32>,
    %swap3A_65 = vector.shape_cast %swap3A_64 : vector<16xf32> to vector<16xf32>
    %swap3A_66 = vector.shape_cast %scan3A_62#0 : vector<16xf32> to vector<16xf32>
    tpu.vector_store %arg7[%swap3A], %swap3A_66 {strides = array<i32>} : memref<512xf32, #tpu.memory_space<vmem>>, vector<16xf32>,
    %swap3A_67 = arith.constant 16 : index
    %swap3A_68 = tpu.vector_load %arg7[%swap3A_67] {strides = array<i32>} : memref<512xf32, #tpu.memory_space<vmem>>, vector<16xf32>,
    %swap3A_69 = vector.shape_cast %swap3A_68 : vector<16xf32> to vector<16xf32>
    %swap3A_70 = vector.shape_cast %scan3A_62#1 : vector<16xf32> to vector<16xf32>
    tpu.vector_store %arg7[%swap3A_67], %swap3A_70 {strides = array<i32>} : memref<512xf32, #tpu.memory_space<vmem>>, vector<16xf32>,
    %swap3A_71 = arith.constant 32 : index
    %swap3A_72 = tpu.vector_load %arg7[%swap3A_71] {strides = array<i32>} : memref<512xf32, #tpu.memory_space<vmem>>, vector<16xf32>,
    %swap3A_73 = vector.shape_cast %swap3A_72 : vector<16xf32> to vector<16xf32>
    %swap3A_74 = vector.shape_cast %scan3A_62#2 : vector<16xf32> to vector<16xf32>
    tpu.vector_store %arg7[%swap3A_71], %swap3A_74 {strides = array<i32>} : memref<512xf32, #tpu.memory_space<vmem>>, vector<16xf32>,
    %swap3A_75 = arith.constant 48 : index
    %swap3A_76 = tpu.vector_load %arg7[%swap3A_75] {strides = array<i32>} : memref<512xf32, #tpu.memory_space<vmem>>, vector<16xf32>,
    %swap3A_77 = vector.shape_cast %swap3A_76 : vector<16xf32> to vector<16xf32>
    %swap3A_78 = vector.shape_cast %scan3A_62#3 : vector<16xf32> to vector<16xf32>
    tpu.vector_store %arg7[%swap3A_75], %swap3A_78 {strides = array<i32>} : memref<512xf32, #tpu.memory_space<vmem>>, vector<16xf32>,
    %swap3A_79 = arith.constant 64 : index
    %swap3A_80 = tpu.vector_load %arg7[%swap3A_79] {strides = array<i32>} : memref<512xf32, #tpu.memory_space<vmem>>, vector<16xf32>,
    %swap3A_81 = vector.shape_cast %swap3A_80 : vector<16xf32> to vector<16xf32>
    %swap3A_82 = vector.shape_cast %scan3A_62#4 : vector<16xf32> to vector<16xf32>
    tpu.vector_store %arg7[%swap3A_79], %swap3A_82 {strides = array<i32>} : memref<512xf32, #tpu.memory_space<vmem>>, vector<16xf32>,
    %swap3A_83 = arith.constant 80 : index
    %swap3A_84 = tpu.vector_load %arg7[%swap3A_83] {strides = array<i32>} : memref<512xf32, #tpu.memory_space<vmem>>, vector<16xf32>,
    %swap3A_85 = vector.shape_cast %swap3A_84 : vector<16xf32> to vector<16xf32>
    %swap3A_86 = vector.shape_cast %scan3A_62#5 : vector<16xf32> to vector<16xf32>
    tpu.vector_store %arg7[%swap3A_83], %swap3A_86 {strides = array<i32>} : memref<512xf32, #tpu.memory_space<vmem>>, vector<16xf32>,
    %swap3A_87 = arith.constant 96 : index
    %swap3A_88 = tpu.vector_load %arg7[%swap3A_87] {strides = array<i32>} : memref<512xf32, #tpu.memory_space<vmem>>, vector<16xf32>,
    %swap3A_89 = vector.shape_cast %swap3A_88 : vector<16xf32> to vector<16xf32>
    %swap3A_90 = vector.shape_cast %scan3A_62#6 : vector<16xf32> to vector<16xf32>
    tpu.vector_store %arg7[%swap3A_87], %swap3A_90 {strides = array<i32>} : memref<512xf32, #tpu.memory_space<vmem>>, vector<16xf32>,
    %swap3A_91 = arith.constant 112 : index
    %swap3A_92 = tpu.vector_load %arg7[%swap3A_91] {strides = array<i32>} : memref<512xf32, #tpu.memory_space<vmem>>, vector<16xf32>,
    %swap3A_93 = vector.shape_cast %swap3A_92 : vector<16xf32> to vector<16xf32>
    %swap3A_94 = vector.shape_cast %scan3A_62#7 : vector<16xf32> to vector<16xf32>
    tpu.vector_store %arg7[%swap3A_91], %swap3A_94 {strides = array<i32>} : memref<512xf32, #tpu.memory_space<vmem>>, vector<16xf32>,
    %swap3A_95 = arith.constant 128 : index
    %swap3A_96 = tpu.vector_load %arg7[%swap3A_95] {strides = array<i32>} : memref<512xf32, #tpu.memory_space<vmem>>, vector<16xf32>,
    %swap3A_97 = vector.shape_cast %swap3A_96 : vector<16xf32> to vector<16xf32>
    %swap3A_98 = vector.shape_cast %scan3A_62#8 : vector<16xf32> to vector<16xf32>
    tpu.vector_store %arg7[%swap3A_95], %swap3A_98 {strides = array<i32>} : memref<512xf32, #tpu.memory_space<vmem>>, vector<16xf32>,
    %swap3A_99 = arith.constant 144 : index
    %swap3A_100 = tpu.vector_load %arg7[%swap3A_99] {strides = array<i32>} : memref<512xf32, #tpu.memory_space<vmem>>, vector<16xf32>,
    %swap3A_101 = vector.shape_cast %swap3A_100 : vector<16xf32> to vector<16xf32>
    %swap3A_102 = vector.shape_cast %scan3A_62#9 : vector<16xf32> to vector<16xf32>
    tpu.vector_store %arg7[%swap3A_99], %swap3A_102 {strides = array<i32>} : memref<512xf32, #tpu.memory_space<vmem>>, vector<16xf32>,
    %swap3A_103 = arith.constant 160 : index
    %swap3A_104 = tpu.vector_load %arg7[%swap3A_103] {strides = array<i32>} : memref<512xf32, #tpu.memory_space<vmem>>, vector<16xf32>,
    %swap3A_105 = vector.shape_cast %swap3A_104 : vector<16xf32> to vector<16xf32>
    %swap3A_106 = vector.shape_cast %scan3A_62#10 : vector<16xf32> to vector<16xf32>
    tpu.vector_store %arg7[%swap3A_103], %swap3A_106 {strides = array<i32>} : memref<512xf32, #tpu.memory_space<vmem>>, vector<16xf32>,
    %swap3A_107 = arith.constant 176 : index
    %swap3A_108 = tpu.vector_load %arg7[%swap3A_107] {strides = array<i32>} : memref<512xf32, #tpu.memory_space<vmem>>, vector<16xf32>,
    %swap3A_109 = vector.shape_cast %swap3A_108 : vector<16xf32> to vector<16xf32>
    %swap3A_110 = vector.shape_cast %scan3A_62#11 : vector<16xf32> to vector<16xf32>
    tpu.vector_store %arg7[%swap3A_107], %swap3A_110 {strides = array<i32>} : memref<512xf32, #tpu.memory_space<vmem>>, vector<16xf32>,
    %swap3A_111 = arith.constant 192 : index
    %swap3A_112 = tpu.vector_load %arg7[%swap3A_111] {strides = array<i32>} : memref<512xf32, #tpu.memory_space<vmem>>, vector<16xf32>,
    %swap3A_113 = vector.shape_cast %swap3A_112 : vector<16xf32> to vector<16xf32>
    %swap3A_114 = vector.shape_cast %scan3A_62#12 : vector<16xf32> to vector<16xf32>
    tpu.vector_store %arg7[%swap3A_111], %swap3A_114 {strides = array<i32>} : memref<512xf32, #tpu.memory_space<vmem>>, vector<16xf32>,
    %swap3A_115 = arith.constant 208 : index
    %swap3A_116 = tpu.vector_load %arg7[%swap3A_115] {strides = array<i32>} : memref<512xf32, #tpu.memory_space<vmem>>, vector<16xf32>,
    %swap3A_117 = vector.shape_cast %swap3A_116 : vector<16xf32> to vector<16xf32>
    %swap3A_118 = vector.shape_cast %scan3A_62#13 : vector<16xf32> to vector<16xf32>
    tpu.vector_store %arg7[%swap3A_115], %swap3A_118 {strides = array<i32>} : memref<512xf32, #tpu.memory_space<vmem>>, vector<16xf32>,
    %swap3A_119 = arith.constant 224 : index
    %swap3A_120 = tpu.vector_load %arg7[%swap3A_119] {strides = array<i32>} : memref<512xf32, #tpu.memory_space<vmem>>, vector<16xf32>,
    %swap3A_121 = vector.shape_cast %swap3A_120 : vector<16xf32> to vector<16xf32>
    %swap3A_122 = vector.shape_cast %scan3A_62#14 : vector<16xf32> to vector<16xf32>
    tpu.vector_store %arg7[%swap3A_119], %swap3A_122 {strides = array<i32>} : memref<512xf32, #tpu.memory_space<vmem>>, vector<16xf32>,
    %swap3A_123 = arith.constant 240 : index
    %swap3A_124 = tpu.vector_load %arg7[%swap3A_123] {strides = array<i32>} : memref<512xf32, #tpu.memory_space<vmem>>, vector<16xf32>,
    %swap3A_125 = vector.shape_cast %swap3A_124 : vector<16xf32> to vector<16xf32>
    %swap3A_126 = vector.shape_cast %scan3A_62#15 : vector<16xf32> to vector<16xf32>
    tpu.vector_store %arg7[%swap3A_123], %swap3A_126 {strides = array<i32>} : memref<512xf32, #tpu.memory_space<vmem>>, vector<16xf32>,
    %swap3A_127 = arith.constant 256 : index
    %swap3A_128 = tpu.vector_load %arg7[%swap3A_127] {strides = array<i32>} : memref<512xf32, #tpu.memory_space<vmem>>, vector<16xf32>,
    %swap3A_129 = vector.shape_cast %swap3A_128 : vector<16xf32> to vector<16xf32>
    %swap3A_130 = vector.shape_cast %scan3A_62#16 : vector<16xf32> to vector<16xf32>
    tpu.vector_store %arg7[%swap3A_127], %swap3A_130 {strides = array<i32>} : memref<512xf32, #tpu.memory_space<vmem>>, vector<16xf32>,
    %swap3A_131 = arith.constant 272 : index
    %swap3A_132 = tpu.vector_load %arg7[%swap3A_131] {strides = array<i32>} : memref<512xf32, #tpu.memory_space<vmem>>, vector<16xf32>,
    %swap3A_133 = vector.shape_cast %swap3A_132 : vector<16xf32> to vector<16xf32>
    %swap3A_134 = vector.shape_cast %scan3A_62#17 : vector<16xf32> to vector<16xf32>
    tpu.vector_store %arg7[%swap3A_131], %swap3A_134 {strides = array<i32>} : memref<512xf32, #tpu.memory_space<vmem>>, vector<16xf32>,
    %swap3A_135 = arith.constant 288 : index
    %swap3A_136 = tpu.vector_load %arg7[%swap3A_135] {strides = array<i32>} : memref<512xf32, #tpu.memory_space<vmem>>, vector<16xf32>,
    %swap3A_137 = vector.shape_cast %swap3A_136 : vector<16xf32> to vector<16xf32>
    %swap3A_138 = vector.shape_cast %scan3A_62#18 : vector<16xf32> to vector<16xf32>
    tpu.vector_store %arg7[%swap3A_135], %swap3A_138 {strides = array<i32>} : memref<512xf32, #tpu.memory_space<vmem>>, vector<16xf32>,
    %swap3A_139 = arith.constant 304 : index
    %swap3A_140 = tpu.vector_load %arg7[%swap3A_139] {strides = array<i32>} : memref<512xf32, #tpu.memory_space<vmem>>, vector<16xf32>,
    %swap3A_141 = vector.shape_cast %swap3A_140 : vector<16xf32> to vector<16xf32>
    %swap3A_142 = vector.shape_cast %scan3A_62#19 : vector<16xf32> to vector<16xf32>
    tpu.vector_store %arg7[%swap3A_139], %swap3A_142 {strides = array<i32>} : memref<512xf32, #tpu.memory_space<vmem>>, vector<16xf32>,
    %swap3A_143 = arith.constant 320 : index
    %swap3A_144 = tpu.vector_load %arg7[%swap3A_143] {strides = array<i32>} : memref<512xf32, #tpu.memory_space<vmem>>, vector<16xf32>,
    %swap3A_145 = vector.shape_cast %swap3A_144 : vector<16xf32> to vector<16xf32>
    %swap3A_146 = vector.shape_cast %scan3A_62#20 : vector<16xf32> to vector<16xf32>
    tpu.vector_store %arg7[%swap3A_143], %swap3A_146 {strides = array<i32>} : memref<512xf32, #tpu.memory_space<vmem>>, vector<16xf32>,
    %swap3A_147 = arith.constant 336 : index
    %swap3A_148 = tpu.vector_load %arg7[%swap3A_147] {strides = array<i32>} : memref<512xf32, #tpu.memory_space<vmem>>, vector<16xf32>,
    %swap3A_149 = vector.shape_cast %swap3A_148 : vector<16xf32> to vector<16xf32>
    %swap3A_150 = vector.shape_cast %scan3A_62#21 : vector<16xf32> to vector<16xf32>
    tpu.vector_store %arg7[%swap3A_147], %swap3A_150 {strides = array<i32>} : memref<512xf32, #tpu.memory_space<vmem>>, vector<16xf32>,
    %swap3A_151 = arith.constant 352 : index
    %swap3A_152 = tpu.vector_load %arg7[%swap3A_151] {strides = array<i32>} : memref<512xf32, #tpu.memory_space<vmem>>, vector<16xf32>,
    %swap3A_153 = vector.shape_cast %swap3A_152 : vector<16xf32> to vector<16xf32>
    %swap3A_154 = vector.shape_cast %scan3A_62#22 : vector<16xf32> to vector<16xf32>
    tpu.vector_store %arg7[%swap3A_151], %swap3A_154 {strides = array<i32>} : memref<512xf32, #tpu.memory_space<vmem>>, vector<16xf32>,
    %swap3A_155 = arith.constant 368 : index
    %swap3A_156 = tpu.vector_load %arg7[%swap3A_155] {strides = array<i32>} : memref<512xf32, #tpu.memory_space<vmem>>, vector<16xf32>,
    %swap3A_157 = vector.shape_cast %swap3A_156 : vector<16xf32> to vector<16xf32>
    %swap3A_158 = vector.shape_cast %scan3A_62#23 : vector<16xf32> to vector<16xf32>
    tpu.vector_store %arg7[%swap3A_155], %swap3A_158 {strides = array<i32>} : memref<512xf32, #tpu.memory_space<vmem>>, vector<16xf32>,
    %swap3A_159 = arith.constant 384 : index
    %swap3A_160 = tpu.vector_load %arg7[%swap3A_159] {strides = array<i32>} : memref<512xf32, #tpu.memory_space<vmem>>, vector<16xf32>,
    %swap3A_161 = vector.shape_cast %swap3A_160 : vector<16xf32> to vector<16xf32>
    %swap3A_162 = vector.shape_cast %scan3A_62#24 : vector<16xf32> to vector<16xf32>
    tpu.vector_store %arg7[%swap3A_159], %swap3A_162 {strides = array<i32>} : memref<512xf32, #tpu.memory_space<vmem>>, vector<16xf32>,
    %swap3A_163 = arith.constant 400 : index
    %swap3A_164 = tpu.vector_load %arg7[%swap3A_163] {strides = array<i32>} : memref<512xf32, #tpu.memory_space<vmem>>, vector<16xf32>,
    %swap3A_165 = vector.shape_cast %swap3A_164 : vector<16xf32> to vector<16xf32>
    %swap3A_166 = vector.shape_cast %scan3A_62#25 : vector<16xf32> to vector<16xf32>
    tpu.vector_store %arg7[%swap3A_163], %swap3A_166 {strides = array<i32>} : memref<512xf32, #tpu.memory_space<vmem>>, vector<16xf32>,
    %swap3A_167 = arith.constant 416 : index
    %swap3A_168 = tpu.vector_load %arg7[%swap3A_167] {strides = array<i32>} : memref<512xf32, #tpu.memory_space<vmem>>, vector<16xf32>,
    %swap3A_169 = vector.shape_cast %swap3A_168 : vector<16xf32> to vector<16xf32>
    %swap3A_170 = vector.shape_cast %scan3A_62#26 : vector<16xf32> to vector<16xf32>
    tpu.vector_store %arg7[%swap3A_167], %swap3A_170 {strides = array<i32>} : memref<512xf32, #tpu.memory_space<vmem>>, vector<16xf32>,
    %swap3A_171 = arith.constant 432 : index
    %swap3A_172 = tpu.vector_load %arg7[%swap3A_171] {strides = array<i32>} : memref<512xf32, #tpu.memory_space<vmem>>, vector<16xf32>,
    %swap3A_173 = vector.shape_cast %swap3A_172 : vector<16xf32> to vector<16xf32>
    %swap3A_174 = vector.shape_cast %scan3A_62#27 : vector<16xf32> to vector<16xf32>
    tpu.vector_store %arg7[%swap3A_171], %swap3A_174 {strides = array<i32>} : memref<512xf32, #tpu.memory_space<vmem>>, vector<16xf32>,
    %swap3A_175 = arith.constant 448 : index
    %swap3A_176 = tpu.vector_load %arg7[%swap3A_175] {strides = array<i32>} : memref<512xf32, #tpu.memory_space<vmem>>, vector<16xf32>,
    %swap3A_177 = vector.shape_cast %swap3A_176 : vector<16xf32> to vector<16xf32>
    %swap3A_178 = vector.shape_cast %scan3A_62#28 : vector<16xf32> to vector<16xf32>
    tpu.vector_store %arg7[%swap3A_175], %swap3A_178 {strides = array<i32>} : memref<512xf32, #tpu.memory_space<vmem>>, vector<16xf32>,
    %swap3A_179 = arith.constant 464 : index
    %swap3A_180 = tpu.vector_load %arg7[%swap3A_179] {strides = array<i32>} : memref<512xf32, #tpu.memory_space<vmem>>, vector<16xf32>,
    %swap3A_181 = vector.shape_cast %swap3A_180 : vector<16xf32> to vector<16xf32>
    %swap3A_182 = vector.shape_cast %scan3A_62#29 : vector<16xf32> to vector<16xf32>
    tpu.vector_store %arg7[%swap3A_179], %swap3A_182 {strides = array<i32>} : memref<512xf32, #tpu.memory_space<vmem>>, vector<16xf32>,
    %swap3A_183 = arith.constant 480 : index
    %swap3A_184 = tpu.vector_load %arg7[%swap3A_183] {strides = array<i32>} : memref<512xf32, #tpu.memory_space<vmem>>, vector<16xf32>,
    %swap3A_185 = vector.shape_cast %swap3A_184 : vector<16xf32> to vector<16xf32>
    %swap3A_186 = vector.shape_cast %scan3A_62#30 : vector<16xf32> to vector<16xf32>
    tpu.vector_store %arg7[%swap3A_183], %swap3A_186 {strides = array<i32>} : memref<512xf32, #tpu.memory_space<vmem>>, vector<16xf32>,
    %swap3A_187 = arith.constant 496 : index
    %swap3A_188 = tpu.vector_load %arg7[%swap3A_187] {strides = array<i32>} : memref<512xf32, #tpu.memory_space<vmem>>, vector<16xf32>,
    %swap3A_189 = vector.shape_cast %swap3A_188 : vector<16xf32> to vector<16xf32>
    %swap3A_190 = vector.shape_cast %scan3A_62#31 : vector<16xf32> to vector<16xf32>
    tpu.vector_store %arg7[%swap3A_187], %swap3A_190 {strides = array<i32>} : memref<512xf32, #tpu.memory_space<vmem>>, vector<16xf32>,
    %mul3A_191 = arith.constant 1024 : i32
    %mul3A_192 = arith.muli %select_n3A_30, %mul3A_191 : i32
    %add3A_193 = arith.constant 0 : i32
    %add3A_194 = arith.addi %add3A_193, %mul3A_192 : i32
    %add3A_195 = arith.addi %add3A_194, %mul3A_32 : i32
    "tpu.region"() ({
      %run_scoped3A = tpu.sem_alloc : memref<!tpu.dma_semaphore, #tpu.memory_space<semaphore_mem>>
      %dma_start3A = arith.constant 0 : i32
      %dma_start3A_211 = tpu.memref_slice %arg7[%dma_start3A] : memref<512xf32, #tpu.memory_space<vmem>> -> memref<128xf32, #tpu.memory_space<vmem>>
      %dma_start3A_212 = tpu.memref_slice %arg4[%add3A_195] : memref<16384xf32, #tpu.memory_space<hbm>> -> memref<128xf32, #tpu.memory_space<hbm>>
      %dma_start3A_213 = tpu.memref_slice %arg4[%add3A_195] : memref<16384xf32, #tpu.memory_space<hbm>> -> memref<128xf32, #tpu.memory_space<hbm>>
      %dma_start3A_214 = arith.constant 0 : i32
      %dma_start3A_215 = tpu.memref_slice %arg7[%dma_start3A_214] : memref<512xf32, #tpu.memory_space<vmem>> -> memref<128xf32, #tpu.memory_space<vmem>>
      tpu.enqueue_dma source(%dma_start3A_215 : memref<128xf32, #tpu.memory_space<vmem>>) target(%dma_start3A_213 : memref<128xf32, #tpu.memory_space<hbm>>) target_semaphore(%run_scoped3A : memref<!tpu.dma_semaphore, #tpu.memory_space<semaphore_mem>>)
      %dma_wait3A = arith.constant 0 : i32
      %dma_wait3A_216 = tpu.memref_slice %arg7[%dma_wait3A] : memref<512xf32, #tpu.memory_space<vmem>> -> memref<128xf32, #tpu.memory_space<vmem>>
      %dma_wait3A_217 = tpu.memref_slice %arg4[%add3A_195] : memref<16384xf32, #tpu.memory_space<hbm>> -> memref<128xf32, #tpu.memory_space<hbm>>
      %dma_wait3A_218 = tpu.memref_slice %arg4[%add3A_195] : memref<16384xf32, #tpu.memory_space<hbm>> -> memref<128xf32, #tpu.memory_space<hbm>>
      %dma_wait3A_219 = arith.constant 0 : i32
      %dma_wait3A_220 = tpu.memref_slice %arg7[%dma_wait3A_219] : memref<512xf32, #tpu.memory_space<vmem>> -> memref<128xf32, #tpu.memory_space<vmem>>
      tpu.wait_dma2 semaphore(%run_scoped3A : memref<!tpu.dma_semaphore, #tpu.memory_space<semaphore_mem>>) src(%dma_wait3A_220 : memref<128xf32, #tpu.memory_space<vmem>>) dst(%dma_wait3A_218 : memref<128xf32, #tpu.memory_space<hbm>>)
      tpu.yield
    }) : () -> ()
    %mul3A_196 = arith.constant 1024 : i32
    %mul3A_197 = arith.muli %select_n3A_30, %mul3A_196 : i32
    %add3A_198 = arith.constant 4096 : i32
    %add3A_199 = arith.addi %add3A_198, %mul3A_197 : i32
    %add3A_200 = arith.addi %add3A_199, %mul3A_32 : i32
    "tpu.region"() ({
      %run_scoped3A = tpu.sem_alloc : memref<!tpu.dma_semaphore, #tpu.memory_space<semaphore_mem>>
      %dma_start3A = arith.constant 128 : i32
      %dma_start3A_211 = tpu.memref_slice %arg7[%dma_start3A] : memref<512xf32, #tpu.memory_space<vmem>> -> memref<128xf32, #tpu.memory_space<vmem>>
      %dma_start3A_212 = tpu.memref_slice %arg4[%add3A_200] : memref<16384xf32, #tpu.memory_space<hbm>> -> memref<128xf32, #tpu.memory_space<hbm>>
      %dma_start3A_213 = tpu.memref_slice %arg4[%add3A_200] : memref<16384xf32, #tpu.memory_space<hbm>> -> memref<128xf32, #tpu.memory_space<hbm>>
      %dma_start3A_214 = arith.constant 128 : i32
      %dma_start3A_215 = tpu.memref_slice %arg7[%dma_start3A_214] : memref<512xf32, #tpu.memory_space<vmem>> -> memref<128xf32, #tpu.memory_space<vmem>>
      tpu.enqueue_dma source(%dma_start3A_215 : memref<128xf32, #tpu.memory_space<vmem>>) target(%dma_start3A_213 : memref<128xf32, #tpu.memory_space<hbm>>) target_semaphore(%run_scoped3A : memref<!tpu.dma_semaphore, #tpu.memory_space<semaphore_mem>>)
      %dma_wait3A = arith.constant 128 : i32
      %dma_wait3A_216 = tpu.memref_slice %arg7[%dma_wait3A] : memref<512xf32, #tpu.memory_space<vmem>> -> memref<128xf32, #tpu.memory_space<vmem>>
      %dma_wait3A_217 = tpu.memref_slice %arg4[%add3A_200] : memref<16384xf32, #tpu.memory_space<hbm>> -> memref<128xf32, #tpu.memory_space<hbm>>
      %dma_wait3A_218 = tpu.memref_slice %arg4[%add3A_200] : memref<16384xf32, #tpu.memory_space<hbm>> -> memref<128xf32, #tpu.memory_space<hbm>>
      %dma_wait3A_219 = arith.constant 128 : i32
      %dma_wait3A_220 = tpu.memref_slice %arg7[%dma_wait3A_219] : memref<512xf32, #tpu.memory_space<vmem>> -> memref<128xf32, #tpu.memory_space<vmem>>
      tpu.wait_dma2 semaphore(%run_scoped3A : memref<!tpu.dma_semaphore, #tpu.memory_space<semaphore_mem>>) src(%dma_wait3A_220 : memref<128xf32, #tpu.memory_space<vmem>>) dst(%dma_wait3A_218 : memref<128xf32, #tpu.memory_space<hbm>>)
      tpu.yield
    }) : () -> ()
    %mul3A_201 = arith.constant 1024 : i32
    %mul3A_202 = arith.muli %select_n3A_30, %mul3A_201 : i32
    %add3A_203 = arith.constant 8192 : i32
    %add3A_204 = arith.addi %add3A_203, %mul3A_202 : i32
    %add3A_205 = arith.addi %add3A_204, %mul3A_32 : i32
    "tpu.region"() ({
      %run_scoped3A = tpu.sem_alloc : memref<!tpu.dma_semaphore, #tpu.memory_space<semaphore_mem>>
      %dma_start3A = arith.constant 256 : i32
      %dma_start3A_211 = tpu.memref_slice %arg7[%dma_start3A] : memref<512xf32, #tpu.memory_space<vmem>> -> memref<128xf32, #tpu.memory_space<vmem>>
      %dma_start3A_212 = tpu.memref_slice %arg4[%add3A_205] : memref<16384xf32, #tpu.memory_space<hbm>> -> memref<128xf32, #tpu.memory_space<hbm>>
      %dma_start3A_213 = tpu.memref_slice %arg4[%add3A_205] : memref<16384xf32, #tpu.memory_space<hbm>> -> memref<128xf32, #tpu.memory_space<hbm>>
      %dma_start3A_214 = arith.constant 256 : i32
      %dma_start3A_215 = tpu.memref_slice %arg7[%dma_start3A_214] : memref<512xf32, #tpu.memory_space<vmem>> -> memref<128xf32, #tpu.memory_space<vmem>>
      tpu.enqueue_dma source(%dma_start3A_215 : memref<128xf32, #tpu.memory_space<vmem>>) target(%dma_start3A_213 : memref<128xf32, #tpu.memory_space<hbm>>) target_semaphore(%run_scoped3A : memref<!tpu.dma_semaphore, #tpu.memory_space<semaphore_mem>>)
      %dma_wait3A = arith.constant 256 : i32
      %dma_wait3A_216 = tpu.memref_slice %arg7[%dma_wait3A] : memref<512xf32, #tpu.memory_space<vmem>> -> memref<128xf32, #tpu.memory_space<vmem>>
      %dma_wait3A_217 = tpu.memref_slice %arg4[%add3A_205] : memref<16384xf32, #tpu.memory_space<hbm>> -> memref<128xf32, #tpu.memory_space<hbm>>
      %dma_wait3A_218 = tpu.memref_slice %arg4[%add3A_205] : memref<16384xf32, #tpu.memory_space<hbm>> -> memref<128xf32, #tpu.memory_space<hbm>>
      %dma_wait3A_219 = arith.constant 256 : i32
      %dma_wait3A_220 = tpu.memref_slice %arg7[%dma_wait3A_219] : memref<512xf32, #tpu.memory_space<vmem>> -> memref<128xf32, #tpu.memory_space<vmem>>
      tpu.wait_dma2 semaphore(%run_scoped3A : memref<!tpu.dma_semaphore, #tpu.memory_space<semaphore_mem>>) src(%dma_wait3A_220 : memref<128xf32, #tpu.memory_space<vmem>>) dst(%dma_wait3A_218 : memref<128xf32, #tpu.memory_space<hbm>>)
      tpu.yield
    }) : () -> ()
    %mul3A_206 = arith.constant 1024 : i32
    %mul3A_207 = arith.muli %select_n3A_30, %mul3A_206 : i32
    %add3A_208 = arith.constant 12288 : i32
    %add3A_209 = arith.addi %add3A_208, %mul3A_207 : i32
    %add3A_210 = arith.addi %add3A_209, %mul3A_32 : i32
    "tpu.region"() ({
      %run_scoped3A = tpu.sem_alloc : memref<!tpu.dma_semaphore, #tpu.memory_space<semaphore_mem>>
      %dma_start3A = arith.constant 384 : i32
      %dma_start3A_211 = tpu.memref_slice %arg7[%dma_start3A] : memref<512xf32, #tpu.memory_space<vmem>> -> memref<128xf32, #tpu.memory_space<vmem>>
      %dma_start3A_212 = tpu.memref_slice %arg4[%add3A_210] : memref<16384xf32, #tpu.memory_space<hbm>> -> memref<128xf32, #tpu.memory_space<hbm>>
      %dma_start3A_213 = tpu.memref_slice %arg4[%add3A_210] : memref<16384xf32, #tpu.memory_space<hbm>> -> memref<128xf32, #tpu.memory_space<hbm>>
      %dma_start3A_214 = arith.constant 384 : i32
      %dma_start3A_215 = tpu.memref_slice %arg7[%dma_start3A_214] : memref<512xf32, #tpu.memory_space<vmem>> -> memref<128xf32, #tpu.memory_space<vmem>>
      tpu.enqueue_dma source(%dma_start3A_215 : memref<128xf32, #tpu.memory_space<vmem>>) target(%dma_start3A_213 : memref<128xf32, #tpu.memory_space<hbm>>) target_semaphore(%run_scoped3A : memref<!tpu.dma_semaphore, #tpu.memory_space<semaphore_mem>>)
      %dma_wait3A = arith.constant 384 : i32
      %dma_wait3A_216 = tpu.memref_slice %arg7[%dma_wait3A] : memref<512xf32, #tpu.memory_space<vmem>> -> memref<128xf32, #tpu.memory_space<vmem>>
      %dma_wait3A_217 = tpu.memref_slice %arg4[%add3A_210] : memref<16384xf32, #tpu.memory_space<hbm>> -> memref<128xf32, #tpu.memory_space<hbm>>
      %dma_wait3A_218 = tpu.memref_slice %arg4[%add3A_210] : memref<16384xf32, #tpu.memory_space<hbm>> -> memref<128xf32, #tpu.memory_space<hbm>>
      %dma_wait3A_219 = arith.constant 384 : i32
      %dma_wait3A_220 = tpu.memref_slice %arg7[%dma_wait3A_219] : memref<512xf32, #tpu.memory_space<vmem>> -> memref<128xf32, #tpu.memory_space<vmem>>
      tpu.wait_dma2 semaphore(%run_scoped3A : memref<!tpu.dma_semaphore, #tpu.memory_space<semaphore_mem>>) src(%dma_wait3A_220 : memref<128xf32, #tpu.memory_space<vmem>>) dst(%dma_wait3A_218 : memref<128xf32, #tpu.memory_space<hbm>>)
      tpu.yield
    }) : () -> ()
    return
  }
}

module attributes {stable_mosaic.version = 14 : i64} {
  func.func @_merge_body(%arg0: memref<32x1024xf32, #tpu.memory_space<vmem>>, %arg1: memref<16x1024xf32, #tpu.memory_space<vmem>>, %arg2: memref<1x1xf32, #tpu.memory_space<vmem>>) attributes {dimension_semantics = [], scalar_prefetch = 0 : i64, scratch_operands = 0 : i64, tpu.core_type = #tpu.core_type<tc>} {
    %get3A = arith.constant 0 : index
    %get3A_0 = arith.constant 0 : index
    %get3A_1 = vector.load %arg0[%get3A, %get3A_0] : memref<32x1024xf32, #tpu.memory_space<vmem>>, vector<32x1024xf32>
    %get3A_2 = arith.constant 0 : index
    %get3A_3 = arith.constant 0 : index
    %get3A_4 = vector.load %arg1[%get3A_2, %get3A_3] : memref<16x1024xf32, #tpu.memory_space<vmem>>, vector<16x1024xf32>
    %slice3A = vector.extract_strided_slice %get3A_1 {offsets = [0, 0], sizes = [8, 1024], strides = [1, 1]} : vector<32x1024xf32> to vector<8x1024xf32>
    %slice3A_5 = vector.extract_strided_slice %get3A_1 {offsets = [8, 0], sizes = [8, 1024], strides = [1, 1]} : vector<32x1024xf32> to vector<8x1024xf32>
    %slice3A_6 = vector.extract_strided_slice %get3A_1 {offsets = [16, 0], sizes = [8, 1024], strides = [1, 1]} : vector<32x1024xf32> to vector<8x1024xf32>
    %slice3A_7 = vector.extract_strided_slice %get3A_1 {offsets = [24, 0], sizes = [8, 1024], strides = [1, 1]} : vector<32x1024xf32> to vector<8x1024xf32>
    %slice3A_8 = vector.extract_strided_slice %get3A_4 {offsets = [0, 0], sizes = [4, 1024], strides = [1, 1]} : vector<16x1024xf32> to vector<4x1024xf32>
    %slice3A_9 = vector.extract_strided_slice %get3A_4 {offsets = [4, 0], sizes = [4, 1024], strides = [1, 1]} : vector<16x1024xf32> to vector<4x1024xf32>
    %slice3A_10 = vector.extract_strided_slice %get3A_4 {offsets = [8, 0], sizes = [4, 1024], strides = [1, 1]} : vector<16x1024xf32> to vector<4x1024xf32>
    %slice3A_11 = vector.extract_strided_slice %get3A_4 {offsets = [12, 0], sizes = [4, 1024], strides = [1, 1]} : vector<16x1024xf32> to vector<4x1024xf32>
    %reduce_max3A = arith.constant dense<0xFF800000> : vector<1024xf32>
    %reduce_max3A_12 = vector.multi_reduction <maximumf>, %slice3A, %reduce_max3A [0] : vector<8x1024xf32> to vector<1024xf32>
    %broadcast_in_dim3A = vector.shape_cast %reduce_max3A_12 : vector<1024xf32> to vector<1x1024xf32>
    %reduce_max3A_13 = arith.constant dense<0xFF800000> : vector<1024xf32>
    %reduce_max3A_14 = vector.multi_reduction <maximumf>, %slice3A_8, %reduce_max3A_13 [0] : vector<4x1024xf32> to vector<1024xf32>
    %broadcast_in_dim3A_15 = vector.shape_cast %reduce_max3A_14 : vector<1024xf32> to vector<1x1024xf32>
    %max3A = arith.maximumf %broadcast_in_dim3A, %broadcast_in_dim3A_15 : vector<1x1024xf32>
    %sub3A = vector.broadcast %max3A : vector<1x1024xf32> to vector<8x1024xf32>
    %sub3A_16 = arith.subf %slice3A, %sub3A : vector<8x1024xf32>
    %exp3A = math.exp %sub3A_16 : vector<8x1024xf32>
    %mul3A = arith.mulf %slice3A_5, %exp3A : vector<8x1024xf32>
    %reduce_sum3A = arith.constant dense<0.000000e+00> : vector<1024xf32>
    %reduce_sum3A_17 = vector.multi_reduction <add>, %mul3A, %reduce_sum3A [0] : vector<8x1024xf32> to vector<1024xf32>
    %broadcast_in_dim3A_18 = vector.shape_cast %reduce_sum3A_17 : vector<1024xf32> to vector<1x1024xf32>
    %sub3A_19 = vector.broadcast %max3A : vector<1x1024xf32> to vector<4x1024xf32>
    %sub3A_20 = arith.subf %slice3A_8, %sub3A_19 : vector<4x1024xf32>
    %exp3A_21 = math.exp %sub3A_20 : vector<4x1024xf32>
    %mul3A_22 = arith.mulf %slice3A_9, %exp3A_21 : vector<4x1024xf32>
    %reduce_sum3A_23 = arith.constant dense<0.000000e+00> : vector<1024xf32>
    %reduce_sum3A_24 = vector.multi_reduction <add>, %mul3A_22, %reduce_sum3A_23 [0] : vector<4x1024xf32> to vector<1024xf32>
    %broadcast_in_dim3A_25 = vector.shape_cast %reduce_sum3A_24 : vector<1024xf32> to vector<1x1024xf32>
    %add3A = arith.addf %broadcast_in_dim3A_18, %broadcast_in_dim3A_25 : vector<1x1024xf32>
    %log3A = math.log %add3A : vector<1x1024xf32>
    %add3A_26 = arith.addf %max3A, %log3A : vector<1x1024xf32>
    %reduce_sum3A_27 = arith.constant dense<0.000000e+00> : vector<1024xf32>
    %reduce_sum3A_28 = vector.multi_reduction <add>, %slice3A_6, %reduce_sum3A_27 [0] : vector<8x1024xf32> to vector<1024xf32>
    %broadcast_in_dim3A_29 = vector.shape_cast %reduce_sum3A_28 : vector<1024xf32> to vector<1x1024xf32>
    %reduce_sum3A_30 = arith.constant dense<0.000000e+00> : vector<1024xf32>
    %reduce_sum3A_31 = vector.multi_reduction <add>, %slice3A_10, %reduce_sum3A_30 [0] : vector<4x1024xf32> to vector<1024xf32>
    %broadcast_in_dim3A_32 = vector.shape_cast %reduce_sum3A_31 : vector<1024xf32> to vector<1x1024xf32>
    %add3A_33 = arith.addf %broadcast_in_dim3A_29, %broadcast_in_dim3A_32 : vector<1x1024xf32>
    %reduce_sum3A_34 = arith.constant dense<0.000000e+00> : vector<1024xf32>
    %reduce_sum3A_35 = vector.multi_reduction <add>, %slice3A_7, %reduce_sum3A_34 [0] : vector<8x1024xf32> to vector<1024xf32>
    %broadcast_in_dim3A_36 = vector.shape_cast %reduce_sum3A_35 : vector<1024xf32> to vector<1x1024xf32>
    %reduce_sum3A_37 = arith.constant dense<0.000000e+00> : vector<1024xf32>
    %reduce_sum3A_38 = vector.multi_reduction <add>, %slice3A_11, %reduce_sum3A_37 [0] : vector<4x1024xf32> to vector<1024xf32>
    %broadcast_in_dim3A_39 = vector.shape_cast %reduce_sum3A_38 : vector<1024xf32> to vector<1x1024xf32>
    %add3A_40 = arith.addf %broadcast_in_dim3A_36, %broadcast_in_dim3A_39 : vector<1x1024xf32>
    %mul3A_41 = arith.constant 1.000000e+05 : f32
    %mul3A_42 = vector.broadcast %mul3A_41 : f32 to vector<1x1024xf32>
    %mul3A_43 = arith.mulf %mul3A_42, %add3A_26 : vector<1x1024xf32>
    %sub3A_44 = arith.subf %add3A_33, %mul3A_43 : vector<1x1024xf32>
    %mul3A_45 = arith.constant 1.000010e-06 : f32
    %mul3A_46 = vector.broadcast %mul3A_45 : f32 to vector<1x1024xf32>
    %mul3A_47 = arith.mulf %mul3A_46, %sub3A_44 : vector<1x1024xf32>
    %sub3A_48 = arith.subf %add3A_40, %add3A_26 : vector<1x1024xf32>
    %mul3A_49 = arith.constant 8.999990e-01 : f32
    %mul3A_50 = vector.broadcast %mul3A_49 : f32 to vector<1x1024xf32>
    %mul3A_51 = arith.mulf %mul3A_50, %sub3A_48 : vector<1x1024xf32>
    %add3A_52 = arith.addf %mul3A_47, %mul3A_51 : vector<1x1024xf32>
    %neg3A = arith.constant 0.000000e+00 : f32
    %neg3A_53 = vector.broadcast %neg3A : f32 to vector<1x1024xf32>
    %neg3A_54 = arith.subf %neg3A_53, %add3A_52 : vector<1x1024xf32>
    %reduce_sum3A_55 = vector.shape_cast %neg3A_54 : vector<1x1024xf32> to vector<1x1x1024xf32>
    %reduce_sum3A_56 = arith.constant dense<0.000000e+00> : vector<1xf32>
    %reduce_sum3A_57 = vector.multi_reduction <add>, %reduce_sum3A_55, %reduce_sum3A_56 [1, 2] : vector<1x1x1024xf32> to vector<1xf32>
    %reduce_sum3A_58 = vector.shape_cast %reduce_sum3A_57 : vector<1xf32> to vector<1x1x1xf32>
    %reduce_sum3A_59 = vector.extract %reduce_sum3A_58[0, 0, 0] : f32 from vector<1x1x1xf32>
    %div3A = arith.constant 1.024000e+03 : f32
    %div3A_60 = arith.divf %reduce_sum3A_59, %div3A : f32
    %reshape3A = vector.broadcast %div3A_60 : f32 to vector<1x1xf32>
    %swap3A = arith.constant 0 : index
    %swap3A_61 = arith.constant 0 : index
    %swap3A_62 = vector.load %arg2[%swap3A, %swap3A_61] : memref<1x1xf32, #tpu.memory_space<vmem>>, vector<1x1xf32>
    tpu.vector_store %arg2[%swap3A, %swap3A_61], %reshape3A {strides = array<i32>} : memref<1x1xf32, #tpu.memory_space<vmem>>, vector<1x1xf32>,
    return
  }
}

module attributes {stable_mosaic.version = 14 : i64} {
  func.func @_loss_body(%arg0: i32, %arg1: memref<1x1024xi32, #tpu.memory_space<vmem>>, %arg2: memref<1800x1024xf32, #tpu.memory_space<vmem>>, %arg3: memref<32x1024xf32, #tpu.memory_space<vmem>>, %arg4: memref<8x1024xf32, #tpu.memory_space<vmem>>, %arg5: memref<8x1024xf32, #tpu.memory_space<vmem>>, %arg6: memref<8x1024xf32, #tpu.memory_space<vmem>>, %arg7: memref<8x1024xf32, #tpu.memory_space<vmem>>) attributes {dimension_semantics = [#tpu.dimension_semantics<arbitrary>], iteration_bounds = array<i64: 36>, scalar_prefetch = 0 : i64, scratch_operands = 4 : i64, tpu.core_type = #tpu.core_type<tc>, window_params = [{pipeline_mode = #tpu.pipeline_mode<synchronous>, transform_indices = @transform_0, window_bounds = array<i64: 1, 1024>}, {transform_indices = @transform_1, window_bounds = array<i64: 1800, 1024>}, {pipeline_mode = #tpu.pipeline_mode<synchronous>, transform_indices = @transform_2, window_bounds = array<i64: 32, 1024>}]} {
    %eq3A = arith.constant 0 : i32
    %eq3A_0 = arith.cmpi eq, %arg0, %eq3A : i32
    %convert_element_type3A = arith.extui %eq3A_0 : i1 to i32
    %cond3A = arith.constant 0 : i32
    %cond3A_1 = arith.cmpi ne, %convert_element_type3A, %cond3A : i32
    scf.if %cond3A_1 {
      %broadcast_in_dim3A_51 = arith.constant 0xFF800000 : f32
      %broadcast_in_dim3A_52 = vector.broadcast %broadcast_in_dim3A_51 : f32 to vector<8x1024xf32>
      %swap3A_53 = arith.constant 0 : index
      %swap3A_54 = arith.constant 0 : index
      %swap3A_55 = vector.load %arg4[%swap3A_53, %swap3A_54] : memref<8x1024xf32, #tpu.memory_space<vmem>>, vector<8x1024xf32>
      tpu.vector_store %arg4[%swap3A_53, %swap3A_54], %broadcast_in_dim3A_52 {strides = array<i32>} : memref<8x1024xf32, #tpu.memory_space<vmem>>, vector<8x1024xf32>,
      %broadcast_in_dim3A_56 = arith.constant 0.000000e+00 : f32
      %broadcast_in_dim3A_57 = vector.broadcast %broadcast_in_dim3A_56 : f32 to vector<8x1024xf32>
      %swap3A_58 = arith.constant 0 : index
      %swap3A_59 = arith.constant 0 : index
      %swap3A_60 = vector.load %arg5[%swap3A_58, %swap3A_59] : memref<8x1024xf32, #tpu.memory_space<vmem>>, vector<8x1024xf32>
      tpu.vector_store %arg5[%swap3A_58, %swap3A_59], %broadcast_in_dim3A_57 {strides = array<i32>} : memref<8x1024xf32, #tpu.memory_space<vmem>>, vector<8x1024xf32>,
      %broadcast_in_dim3A_61 = arith.constant 0.000000e+00 : f32
      %broadcast_in_dim3A_62 = vector.broadcast %broadcast_in_dim3A_61 : f32 to vector<8x1024xf32>
      %swap3A_63 = arith.constant 0 : index
      %swap3A_64 = arith.constant 0 : index
      %swap3A_65 = vector.load %arg6[%swap3A_63, %swap3A_64] : memref<8x1024xf32, #tpu.memory_space<vmem>>, vector<8x1024xf32>
      tpu.vector_store %arg6[%swap3A_63, %swap3A_64], %broadcast_in_dim3A_62 {strides = array<i32>} : memref<8x1024xf32, #tpu.memory_space<vmem>>, vector<8x1024xf32>,
      %broadcast_in_dim3A_66 = arith.constant 0.000000e+00 : f32
      %broadcast_in_dim3A_67 = vector.broadcast %broadcast_in_dim3A_66 : f32 to vector<8x1024xf32>
      %swap3A_68 = arith.constant 0 : index
      %swap3A_69 = arith.constant 0 : index
      %swap3A_70 = vector.load %arg7[%swap3A_68, %swap3A_69] : memref<8x1024xf32, #tpu.memory_space<vmem>>, vector<8x1024xf32>
      tpu.vector_store %arg7[%swap3A_68, %swap3A_69], %broadcast_in_dim3A_67 {strides = array<i32>} : memref<8x1024xf32, #tpu.memory_space<vmem>>, vector<8x1024xf32>,
    } else {
    }
    %iota3A = tpu.iota {dimensions = array<i32: 0>} : vector<8x1024xi32>
    %get3A = arith.constant 0 : index
    %get3A_2 = arith.constant 0 : index
    %get3A_3 = vector.load %arg1[%get3A, %get3A_2] : memref<1x1024xi32, #tpu.memory_space<vmem>>, vector<1x1024xi32>
    %mul3A = arith.constant 1800 : i32
    %mul3A_4 = arith.muli %arg0, %mul3A : i32
    %sub3A = vector.broadcast %mul3A_4 : i32 to vector<1x1024xi32>
    %sub3A_5 = arith.subi %get3A_3, %sub3A : vector<1x1024xi32>
    %broadcast_in_dim3A = arith.constant 0 : i32
    %broadcast_in_dim3A_6 = vector.broadcast %broadcast_in_dim3A : i32 to vector<8x1024xi32>
    %add3A = vector.broadcast %sub3A_5 : vector<1x1024xi32> to vector<8x1024xi32>
    %add3A_7 = arith.addi %add3A, %broadcast_in_dim3A_6 : vector<8x1024xi32>
    %broadcast_in_dim3A_8 = arith.constant 0xFF800000 : f32
    %broadcast_in_dim3A_9 = vector.broadcast %broadcast_in_dim3A_8 : f32 to vector<8x1024xf32>
    %get3A_10 = arith.constant 0 : index
    %get3A_11 = arith.constant 0 : index
    %get3A_12 = vector.load %arg6[%get3A_10, %get3A_11] : memref<8x1024xf32, #tpu.memory_space<vmem>>, vector<8x1024xf32>
    %scan3A = arith.constant 0 : i32
    %scan3A_13 = arith.constant 225 : i32
    %scan3A_14 = arith.addi %scan3A, %scan3A_13 : i32
    %scan3A_15 = arith.constant 1 : i32
    %scan3A_16:2 = scf.for %scan3A_51 = %scan3A to %scan3A_14 step %scan3A_15 iter_args(%scan3A_52 = %broadcast_in_dim3A_9, %scan3A_53 = %get3A_12) -> (vector<8x1024xf32>, vector<8x1024xf32>)  : i32 {
      %mul3A_54 = arith.constant 8 : i32
      %mul3A_55 = arith.muli %scan3A_51, %mul3A_54 : i32
      %multiple_of3A = tpu.assume_multiple %mul3A_55, 8 : i32
      %get3A_56 = arith.index_cast %multiple_of3A : i32 to index
      %get3A_57 = arith.constant 0 : index
      %get3A_58 = vector.load %arg2[%get3A_56, %get3A_57] : memref<1800x1024xf32, #tpu.memory_space<vmem>>, vector<8x1024xf32>
      %max3A_59 = arith.maximumf %scan3A_52, %get3A_58 : vector<8x1024xf32>
      %add3A_60 = arith.addf %scan3A_53, %get3A_58 : vector<8x1024xf32>
      scf.yield %max3A_59, %add3A_60 : vector<8x1024xf32>, vector<8x1024xf32>
    }
    %scan3A_17 = arith.constant 225 : i32
    %swap3A = arith.constant 0 : index
    %swap3A_18 = arith.constant 0 : index
    %swap3A_19 = vector.load %arg6[%swap3A, %swap3A_18] : memref<8x1024xf32, #tpu.memory_space<vmem>>, vector<8x1024xf32>
    tpu.vector_store %arg6[%swap3A, %swap3A_18], %scan3A_16#1 {strides = array<i32>} : memref<8x1024xf32, #tpu.memory_space<vmem>>, vector<8x1024xf32>,
    %get3A_20 = arith.constant 0 : index
    %get3A_21 = arith.constant 0 : index
    %get3A_22 = vector.load %arg4[%get3A_20, %get3A_21] : memref<8x1024xf32, #tpu.memory_space<vmem>>, vector<8x1024xf32>
    %max3A = arith.maximumf %get3A_22, %scan3A_16#0 : vector<8x1024xf32>
    %swap3A_23 = arith.constant 0 : index
    %swap3A_24 = arith.constant 0 : index
    %swap3A_25 = vector.load %arg4[%swap3A_23, %swap3A_24] : memref<8x1024xf32, #tpu.memory_space<vmem>>, vector<8x1024xf32>
    tpu.vector_store %arg4[%swap3A_23, %swap3A_24], %max3A {strides = array<i32>} : memref<8x1024xf32, #tpu.memory_space<vmem>>, vector<8x1024xf32>,
    %get3A_26 = arith.constant 0 : index
    %get3A_27 = arith.constant 0 : index
    %get3A_28 = vector.load %arg5[%get3A_26, %get3A_27] : memref<8x1024xf32, #tpu.memory_space<vmem>>, vector<8x1024xf32>
    %sub3A_29 = arith.subf %get3A_22, %max3A : vector<8x1024xf32>
    %exp3A = math.exp %sub3A_29 : vector<8x1024xf32>
    %mul3A_30 = arith.mulf %get3A_28, %exp3A : vector<8x1024xf32>
    %get3A_31 = arith.constant 0 : index
    %get3A_32 = arith.constant 0 : index
    %get3A_33 = vector.load %arg7[%get3A_31, %get3A_32] : memref<8x1024xf32, #tpu.memory_space<vmem>>, vector<8x1024xf32>
    %scan3A_34 = arith.constant 0 : i32
    %scan3A_35 = arith.constant 225 : i32
    %scan3A_36 = arith.addi %scan3A_34, %scan3A_35 : i32
    %scan3A_37 = arith.constant 1 : i32
    %scan3A_38:2 = scf.for %scan3A_51 = %scan3A_34 to %scan3A_36 step %scan3A_37 iter_args(%scan3A_52 = %mul3A_30, %scan3A_53 = %get3A_33) -> (vector<8x1024xf32>, vector<8x1024xf32>)  : i32 {
      %mul3A_54 = arith.constant 8 : i32
      %mul3A_55 = arith.muli %scan3A_51, %mul3A_54 : i32
      %multiple_of3A = tpu.assume_multiple %mul3A_55, 8 : i32
      %get3A_56 = arith.index_cast %multiple_of3A : i32 to index
      %get3A_57 = arith.constant 0 : index
      %get3A_58 = vector.load %arg2[%get3A_56, %get3A_57] : memref<1800x1024xf32, #tpu.memory_space<vmem>>, vector<8x1024xf32>
      %mul3A_59 = arith.constant 8 : i32
      %mul3A_60 = arith.muli %scan3A_51, %mul3A_59 : i32
      %sub3A_61 = vector.broadcast %mul3A_60 : i32 to vector<8x1024xi32>
      %sub3A_62 = arith.subi %add3A_7, %sub3A_61 : vector<8x1024xi32>
      %eq3A_63 = arith.cmpi eq, %sub3A_62, %iota3A : vector<8x1024xi32>
      %sub3A_64 = arith.subf %get3A_58, %max3A : vector<8x1024xf32>
      %exp3A_65 = math.exp %sub3A_64 : vector<8x1024xf32>
      %add3A_66 = arith.addf %scan3A_52, %exp3A_65 : vector<8x1024xf32>
      %jit3A = arith.constant 0.000000e+00 : f32
      %broadcast_in_dim3A_67 = vector.broadcast %jit3A : f32 to vector<8x1024xf32>
      %select_n3A = arith.select %eq3A_63, %get3A_58, %broadcast_in_dim3A_67 : vector<8x1024xi1>, vector<8x1024xf32>
      %add3A_68 = arith.addf %scan3A_53, %select_n3A : vector<8x1024xf32>
      scf.yield %add3A_66, %add3A_68 : vector<8x1024xf32>, vector<8x1024xf32>
    }
    %scan3A_39 = arith.constant 225 : i32
    %swap3A_40 = arith.constant 0 : index
    %swap3A_41 = arith.constant 0 : index
    %swap3A_42 = vector.load %arg5[%swap3A_40, %swap3A_41] : memref<8x1024xf32, #tpu.memory_space<vmem>>, vector<8x1024xf32>
    tpu.vector_store %arg5[%swap3A_40, %swap3A_41], %scan3A_38#0 {strides = array<i32>} : memref<8x1024xf32, #tpu.memory_space<vmem>>, vector<8x1024xf32>,
    %swap3A_43 = arith.constant 0 : index
    %swap3A_44 = arith.constant 0 : index
    %swap3A_45 = vector.load %arg7[%swap3A_43, %swap3A_44] : memref<8x1024xf32, #tpu.memory_space<vmem>>, vector<8x1024xf32>
    tpu.vector_store %arg7[%swap3A_43, %swap3A_44], %scan3A_38#1 {strides = array<i32>} : memref<8x1024xf32, #tpu.memory_space<vmem>>, vector<8x1024xf32>,
    %eq3A_46 = arith.constant 35 : i32
    %eq3A_47 = arith.cmpi eq, %arg0, %eq3A_46 : i32
    %convert_element_type3A_48 = arith.extui %eq3A_47 : i1 to i32
    %cond3A_49 = arith.constant 0 : i32
    %cond3A_50 = arith.cmpi ne, %convert_element_type3A_48, %cond3A_49 : i32
    scf.if %cond3A_50 {
      %get3A_51 = arith.constant 0 : index
      %get3A_52 = arith.constant 0 : index
      %get3A_53 = vector.load %arg4[%get3A_51, %get3A_52] : memref<8x1024xf32, #tpu.memory_space<vmem>>, vector<8x1024xf32>
      %swap3A_54 = arith.constant 0 : index
      %swap3A_55 = arith.constant 0 : index
      %swap3A_56 = vector.load %arg3[%swap3A_54, %swap3A_55] : memref<32x1024xf32, #tpu.memory_space<vmem>>, vector<8x1024xf32>
      tpu.vector_store %arg3[%swap3A_54, %swap3A_55], %get3A_53 {strides = array<i32>} : memref<32x1024xf32, #tpu.memory_space<vmem>>, vector<8x1024xf32>,
      %get3A_57 = arith.constant 0 : index
      %get3A_58 = arith.constant 0 : index
      %get3A_59 = vector.load %arg5[%get3A_57, %get3A_58] : memref<8x1024xf32, #tpu.memory_space<vmem>>, vector<8x1024xf32>
      %swap3A_60 = arith.constant 8 : index
      %swap3A_61 = arith.constant 0 : index
      %swap3A_62 = vector.load %arg3[%swap3A_60, %swap3A_61] : memref<32x1024xf32, #tpu.memory_space<vmem>>, vector<8x1024xf32>
      tpu.vector_store %arg3[%swap3A_60, %swap3A_61], %get3A_59 {strides = array<i32>} : memref<32x1024xf32, #tpu.memory_space<vmem>>, vector<8x1024xf32>,
      %get3A_63 = arith.constant 0 : index
      %get3A_64 = arith.constant 0 : index
      %get3A_65 = vector.load %arg6[%get3A_63, %get3A_64] : memref<8x1024xf32, #tpu.memory_space<vmem>>, vector<8x1024xf32>
      %swap3A_66 = arith.constant 16 : index
      %swap3A_67 = arith.constant 0 : index
      %swap3A_68 = vector.load %arg3[%swap3A_66, %swap3A_67] : memref<32x1024xf32, #tpu.memory_space<vmem>>, vector<8x1024xf32>
      tpu.vector_store %arg3[%swap3A_66, %swap3A_67], %get3A_65 {strides = array<i32>} : memref<32x1024xf32, #tpu.memory_space<vmem>>, vector<8x1024xf32>,
      %get3A_69 = arith.constant 0 : index
      %get3A_70 = arith.constant 0 : index
      %get3A_71 = vector.load %arg7[%get3A_69, %get3A_70] : memref<8x1024xf32, #tpu.memory_space<vmem>>, vector<8x1024xf32>
      %swap3A_72 = arith.constant 24 : index
      %swap3A_73 = arith.constant 0 : index
      %swap3A_74 = vector.load %arg3[%swap3A_72, %swap3A_73] : memref<32x1024xf32, #tpu.memory_space<vmem>>, vector<8x1024xf32>
      tpu.vector_store %arg3[%swap3A_72, %swap3A_73], %get3A_71 {strides = array<i32>} : memref<32x1024xf32, #tpu.memory_space<vmem>>, vector<8x1024xf32>,
    } else {
    }
    return
  }
  func.func @transform_0(%arg0: i32) -> (i32, i32) {
    %c0_i32 = arith.constant 0 : i32
    %c0_i32_0 = arith.constant 0 : i32
    %c0_i32_1 = arith.constant 0 : i32
    return %c0_i32, %c0_i32_0 : i32, i32
  }
  func.func @transform_1(%arg0: i32) -> (i32, i32) {
    %c0_i32 = arith.constant 0 : i32
    %c0_i32_0 = arith.constant 0 : i32
    return %arg0, %c0_i32 : i32, i32
  }
  func.func @transform_2(%arg0: i32) -> (i32, i32) {
    %c0_i32 = arith.constant 0 : i32
    %c0_i32_0 = arith.constant 0 : i32
    %c0_i32_1 = arith.constant 0 : i32
    return %c0_i32, %c0_i32_0 : i32, i32
  }
}

</mosaic_0001>

<sc_bundles>
// kernel: kernel.5.cloned.1.call-start
scs
__scs_entry_jumppad:
0x0: {  	(pc) =	sbr.rel $0x88, $3  }
0x1: {  	(tag) =	ssettag $0x0;
	lr =	simm.s32 $0x1  }
0x2: {  	[smem:$0x3F9F] =	sst lr;
	_ =	strace $0xD0000000  }
0x3: {  	_ = 	snop  }
0x4: {  	_ = 	snop  }
0x5: {  	_ = 	snop  }
0x6: {  	_ = 	snop  }
0x7: {  	_ = 	snop  }
__scs_overlays_trampoline_lowered:
0x8: {  	[smem:$0x3FAE] =	sst s0  }
0x9: {  	[smem:$0x3FAF] =	sst s1  }
0xa: {  	[smem:$0x3FB0] =	sst s2  }
0xb: {  	[smem:$0x3FB1] =	sst s3  }
0xc: {  	[smem:$0x3FB2] =	sst s4  }
0xd: {  	[smem:$0x3FB3] =	sst s5  }
0xe: {  	[smem:$0x3FB4] =	sst s6  }
0xf: {  	[smem:$0x3FB5] =	sst s7  }
0x10: {  	[smem:$0x3FB6] =	sst s8  }
0x11: {  	[smem:$0x3FB7] =	sst s9;
	s0 =	simm.s32 @!p0 $0x0  }
0x12: {  	s1 =	sld [smem:$0x3F9D];
	s0 =	simm.s32 @p0 $0x1  }
0x13: {  	[smem:$0x3FB8] =	sst s0;
	s0 =	simm.s32 @!p1 $0x0  }
0x14: {  	s2 =	sld [smem:$0x3F9C];
	s0 =	simm.s32 @p1 $0x1  }
0x15: {  	[smem:$0x3FB9] =	sst s0;
	s0 =	simm.s32 @!p2 $0x0  }
0x16: {  	s3 =	sld [smem:$0x3FDB];
	s0 =	simm.s32 @p2 $0x1  }
0x17: {  	s4 =	simm.s32 $0x1BF5;
	[smem:$0x3FBB] =	sst s0  }
0x18: {  	s0 =	sld [smem:$0x3F9E];
	_ =	swait.ge [sflag:s4], $0x0  }
0x19: {  	s7 =	sld [smem:$0x3F9F]  }
0x1a: {  	s8 =	sadd.s32 $0xFFFFE003, lr  }
0x1b: {  	s9 =	sadd.s32 $0xFFFFFEF7, lr;
	s5 =	simm.s32 $0xFFFFFFFF;
	p2 =	slt.u32 s8, $0xFFFFF086  }
0x1c: {  	p1 =	slt.u32 s9, $0xF7A;
	s5 =	simm.s32 @!p2 $0x0  }
0x1d: {  	s5 =	simm.s32 @p1 $0x1;
	p0 =	seq.s32 s7, s2  }
0x1e: {  	s7 =	smul.u32 @!p0 $0xF7A, s2;
	p2 =	seq.s32 @!p0 s5, $0x0  }
0x1f: {  	s9 =	smul.u32 $0xF7A, s1;
	s8 =	simm.s32 @!p0 $0x1BF5;
	p2 =	por !p2, p0  }
0x20: {  	[sflag:s8] =	ssyncset.s32 @!p0 $0xFFFFF086;
	s6 =	sadd.s32 @!p0 s3, s7;
	s7 =	simm.s32 @!p0 $0x108  }
0x21: {  	s3 =	sadd.s32 s3, s9;
	s6 =	sadd.s32 @!p0 $0x88, s6;
	s7 =	simm.s32 @p2 $0x1082  }
0x22: {  	[simem:s7], [sflag:s8] =	dma.local @!p0 [hbm:s6], $0xF7A  }
0x23: {  	s9 =	sor.u32 $0xD0000000, s2;
	s6 =	simm.s32 $0x108;
	_ =	swait.ge @!p0 [sflag:s8], $0x0  }
0x24: {  	s3 =	sadd.s32 $0x88, s3;
	s6 =	simm.s32 @!p1 $0x1082;
	[sflag:s4] =	ssyncset.s32 $0xFFFFF086  }
0x25: {  	[simem:s6], [sflag:s4] =	dma.local [hbm:s3], $0xF7A  }
0x26: {  	[smem:$0x3F9F] =	sst s1;
	(tag) =	ssettag s2;
	_ =	strace s9  }
0x27: {  	s1 =	sld [smem:$0x3FAF]  }
0x28: {  	s2 =	sld [smem:$0x3FB0]  }
0x29: {  	s4 =	sld [smem:$0x3FB2]  }
0x2a: {  	p0 =	seq.s32 s5, $0x0;
	s5 =	sld [smem:$0x3FB3]  }
0x2b: {  	s6 =	sld [smem:$0x3FB4]  }
0x2c: {  	s7 =	sld [smem:$0x3FB5]  }
0x2d: {  	s3 =	simm.s32 $0x108;
	s8 =	sld [smem:$0x3FB6]  }
0x2e: {  	s3 =	simm.s32 @!p0 $0x1082;
	s9 =	sld [smem:$0x3FB7]  }
0x2f: {  	lr =	sadd.s32 s0, s3;
	s0 =	sld [smem:$0x3FAE]  }
0x30: {  	s3 =	sld [smem:$0x3FB1]  }
0x31: {  	[smem:$0x3FBA] =	sst s10  }
0x32: {  	s10 =	sld [smem:$0x3FB8];
	_ =	sdelay $0x3  }
0x33: {  	p0 =	seq.s32 s10, $0x1;
	s10 =	sld [smem:$0x3FBA];
	_ =	sdelay $0x3  }
0x34: {  	[smem:$0x3FBA] =	sst s10  }
0x35: {  	s10 =	sld [smem:$0x3FB9];
	_ =	sdelay $0x3  }
0x36: {  	p1 =	seq.s32 s10, $0x1;
	s10 =	sld [smem:$0x3FBA];
	_ =	sdelay $0x3  }
0x37: {  	[smem:$0x3FBA] =	sst s10  }
0x38: {  	s10 =	sld [smem:$0x3FBB]  }
0x39: {  	_ = 	snop;
	(pc) =	sbr.ind lr, $3  }
0x3a: {  	_ = 	snop  }
0x3b: {  	_ = 	snop  }
0x3c: {  	p2 =	seq.s32 s10, $0x1;
	s10 =	sld [smem:$0x3FBA]  }
0x3d: {  	_ =	shalt  }
0x3e: {  	_ =	shalt  }
0x3f: {  	_ =	shalt  }
0x40: {  	_ =	shalt  }
0x41: {  	_ =	shalt  }
0x42: {  	_ =	shalt  }
0x43: {  	_ =	shalt  }
0x44: {  	_ =	shalt  }
0x45: {  	_ =	shalt  }
0x46: {  	_ =	shalt  }
0x47: {  	_ =	shalt  }
0x48: {  	_ =	shalt  }
0x49: {  	_ =	shalt  }
0x4a: {  	_ =	shalt  }
0x4b: {  	_ =	shalt  }
0x4c: {  	_ =	shalt  }
0x4d: {  	_ =	shalt  }
0x4e: {  	_ =	shalt  }
0x4f: {  	_ =	shalt  }
0x50: {  	_ =	shalt  }
0x51: {  	_ =	shalt  }
0x52: {  	_ =	shalt  }
0x53: {  	_ =	shalt  }
0x54: {  	_ =	shalt  }
0x55: {  	_ =	shalt  }
0x56: {  	_ =	shalt  }
0x57: {  	_ =	shalt  }
0x58: {  	_ =	shalt  }
0x59: {  	_ =	shalt  }
0x5a: {  	_ =	shalt  }
0x5b: {  	_ =	shalt  }
0x5c: {  	_ =	shalt  }
0x5d: {  	_ =	shalt  }
0x5e: {  	_ =	shalt  }
0x5f: {  	_ =	shalt  }
0x60: {  	_ =	shalt  }
0x61: {  	_ =	shalt  }
0x62: {  	_ =	shalt  }
0x63: {  	_ =	shalt  }
0x64: {  	_ =	shalt  }
0x65: {  	_ =	shalt  }
0x66: {  	_ =	shalt  }
0x67: {  	_ =	shalt  }
0x68: {  	_ =	shalt  }
0x69: {  	_ =	shalt  }
0x6a: {  	_ =	shalt  }
0x6b: {  	_ =	shalt  }
0x6c: {  	_ =	shalt  }
0x6d: {  	_ =	shalt  }
0x6e: {  	_ =	shalt  }
0x6f: {  	_ =	shalt  }
0x70: {  	_ =	shalt  }
0x71: {  	_ =	shalt  }
0x72: {  	_ =	shalt  }
0x73: {  	_ =	shalt  }
0x74: {  	_ =	shalt  }
0x75: {  	_ =	shalt  }
0x76: {  	_ =	shalt  }
0x77: {  	_ =	shalt  }
0x78: {  	_ =	shalt  }
0x79: {  	_ =	shalt  }
0x7a: {  	_ =	shalt  }
0x7b: {  	_ =	shalt  }
0x7c: {  	_ =	shalt  }
0x7d: {  	_ =	shalt  }
0x7e: {  	_ =	shalt  }
0x7f: {  	_ =	shalt  }
0x80: {  	_ =	shalt  }
0x81: {  	_ =	shalt  }
0x82: {  	_ =	shalt  }
0x83: {  	_ =	shalt  }
0x84: {  	_ =	shalt  }
0x85: {  	_ =	shalt  }
0x86: {  	_ =	shalt  }
0x87: {  	_ =	shalt  }
.Lfunc_end0:
.L_simem_size_0:
called_computation_lowered:
.L_overlay_start_0:
0x88: {  	s2 =	sld [smem:$0x3FD9]  }
0x89: {  	s3 =	sld [smem:$0x3FFE];
	_ =	sdelay $0x1  }
0x8a: {  	s1 =	srdreg.scid  }
0x8b: {  	s0 =	sand.u32 $0x1, s1  }
0x8c: {  	s17 =	sshll.u32 s0, $0xA;
	s2 =	sadd.s32 s3, s2  }
0x8d: {  	s2 =	sadd.s32 s2, s17  }
0x8e: {  	[smem:$0x3FC6] =	sst s2  }
0x8f: {  	_ = 	snop  }
0x90: {  	s2 =	sld [smem:$0x3FC9]  }
0x91: {  	s18 =	sld [smem:$0x3FC8];
	(tm) =	ssettm $0x1  }
0x92: {  	s4 =	sld [smem:$0x3FFB];
	_ =	sdelay $0x3  }
0x93: {  	_ =	strace s4  }
0x94: {  	s4 =	sld [smem:$0x3FFC];
	_ =	sdelay $0x3  }
0x95: {  	_ =	strace s4  }
0x96: {  	s4 =	sld [smem:$0x3FFD];
	_ =	sdelay $0x3  }
0x97: {  	_ =	strace s4  }
0x98: {  	_ =	strace $0x8FFFFFFF  }
0x99: {  	s19 =	sld [smem:$0x3FDB];
	_ =	sdelay $0x1  }
0x9a: {  	s5 =	simm.s32 $_scs_section_size  }
0x9b: {  	s6 =	simm.s32 $_size__tile_overlayer_lowered;
	s7 =	simm.s32 $_tile_overlayer_lowered  }
0x9c: {  	s22 =	simm.s32 $0x1BFF;
	s21 =	sshll.u32 s7, $0x1;
	s4 =	sadd.s32 s5, s19  }
0x9d: {  	s8 =	simm.s32 $0x0;
	s20 =	sshll.u32 s6, $0x1;
	s6 =	sadd.s32 s21, s4  }
0x9e: {  	[timem:s8], [sflag:s22] =	dma.local [hbm:s6], s20  }
0x9f: {  	_ =	swait.ge [sflag:s22], s20  }
0xa0: {  	s5 =	ssub.s32 $0x0, s20;
	[sflag:s22] =	ssyncset.done $0x0  }
0xa1: {  	[sflag:s22] =	ssyncadd.s32 s5;
	_ =	sdelay $0x1  }
0xa2: {  	s23 =	simm.s32 $0x1B8B  }
0xa3: {  	_ =	swait.ge [sflag:s23], $0x1  }
0xa4: {  	[sflag:s23] =	ssyncset.done $0x0  }
0xa5: {  	s25 =	simm.s32 $0x1B8E;
	s24 =	sld [smem:$0x3FFE];
	[sflag:s23] =	ssyncadd.s32 $0xFFFFFFFF  }
0xa6: {  	s26 =	simm.s32 $execute0_lowered;
	[smem:$0x3FD2] =	sst s25  }
0xa7: {  	s6 =	sshll.u32 s26, $0x1;
	_ =	strace $0x80000046;
	[dreg:$0x1] =	wrdreg $0xFFFFFFFF  }
0xa8: {  	s28 =	simm.s32 $_size_execute0_lowered;
	s4 =	sadd.s32 s4, s6;
	[dreg:$0x0] =	wrdreg $0x0  }
0xa9: {  	s6 =	sshll.u32 s28, $0x1;
	[dreg:$0x2] =	wrdreg s4  }
0xaa: {  	[dreg:$0x3] =	wrdreg s6  }
0xab: {  	[dreg:$0x4] =	wrdreg $0xC0  }
0xac: {  	_ =	task [dreg:s8], $0x5FFFF  }
0xad: {  	[dreg:$0x1] =	wrdreg $0xFFFFFFFF  }
0xae: {  	[dreg:$0x0] =	wrdreg $0x60  }
0xaf: {  	[dreg:$0x2] =	wrdreg s2  }
0xb0: {  	[dreg:$0x3] =	wrdreg s18  }
0xb1: {  	[dreg:$0x4] =	wrdreg s24  }
0xb2: {  	[dreg:$0x5] =	wrdreg $0x9  }
0xb3: {  	_ =	task.clear_ibuf [dreg:s8], $0x6FFFF;
	_ =	strace $0x90000046  }
0xb4: {  	s29 =	simm.s32 $0x9;
	_ =	strace $0x80000048  }
0xb5: {  	_ =	swait.ge [sflag:s29], $0x1  }
0xb6: {  	[sflag:s29] =	ssyncadd.s32 $0xFFFFFFFF  }
0xb7: {  	_ =	strace $0x90000048  }
0xb8: {  	_ =	sfence  }
0xb9: {  	s30 =	sld [smem:$0x0];
	_ =	sdelay $0x2  }
0xba: {  	s31 =	sshll.u32 s1, $0xD;
	s1 =	sshrl.u32 s1, $0x2  }
0xbb: {  	s3 =	sand.u32 $0x4000, s31;
	s1 =	sadd.s32 s1, s30  }
0xbc: {  	s0 =	sor.u32 s3, s0;
	s1 =	sshll.u32 s1, $0x11  }
0xbd: {  	s0 =	sor.u32 s1, s0  }
0xbe: {  	s0 =	sadd.s32 $0x8F2B, s0  }
0xbf: {  	[sflag:s0] =	ssyncadd.remote.s32 $0x1  }
0xc0: {  	_ =	sfence.sel $0xFFFF  }
0xc1: {  	[dreg:$0x0] =	wrdreg $0xFFFFFFFF;
	(pc) =	sbr.abs _section_cstart, $3  }
0xc2: {  	[dreg:$0x1] =	wrdreg $0xFFFFFFFF  }
0xc3: {  	_ =	task.clear_ibuf [dreg:s8], $0x2FFFF;
	_ =	strace $0x9FFFFFFF  }
0xc4: {  	(tm) =	ssettm $0x7FFFFFFF  }
0xc5: {  	_ =	shalt  }
tec
execute0_lowered:
.L_overlay_start_1:
0x0: {  	(tag) =	ssettag $0x1  }
0x1: {  	s2 =	rddreg [dreg:$0x0]  }
0x2: {  	s5 =	rddreg [dreg:$0x1]  }
0x3: {  	s0 =	stileid.u32;
	s6 =	rddreg [dreg:$0x2]  }
0x4: {  	s3 =	srdreg.scid;
	s1 =	rddreg [dreg:$0x3]  }
0x5: {  	s12 =	simm.s32 $0x2;
	s13 =	simm.s32 $0x400;
	s14 =	simm.s32 $0x2000  }
0x6: {  	s15 =	simm.s32 $0x80;
	s16 =	simm.s32 $0x1;
	s17 =	simm.s32 $0xC880  }
0x7: {  	s18 =	simm.s32 $0xC900;
	s19 =	simm.s32 $0xC980;
	s20 =	simm.s32 $0xCA00  }
0x8: {  	s21 =	simm.s32 $0x0;
	s4 =	sshll.u32 s0, $0x1;
	s7 =	sand.u32 $0x1, s3  }
0x9: {  	s3 =	simm.s32 $0x0;
	s8 =	sand.u32 $0x2, s4;
	s4 =	sshrl.u32 s0, $0x1  }
0xa: {  	[smem:$0x7FF] =	sst s3;
	s8 =	sor.u32 s7, s8;
	s9 =	sshll.u32 s4, $0x4  }
0xb: {  	s7 =	ssub.s32 $0x2, s7;
	_ =	strace $0x80000047;
	s10 =	sshll.u32 s8, $0x7  }
0xc: {  	s8 =	smul.u32 $0x2260, s8;
	s31 =	sshrl.u32 s7, $0x1;
	s10 =	sor.u32 s9, s10  }
0xd: {  	s5 =	sadd.s32 s5, s9;
	s11 =	ssub.s32 s7, s31;
	s10 =	sadd.s32 s10, s6  }
0xe: {  	s6 =	sadd.s32 $0xFD20, s8;
	s11 =	smax.u32 s11, $0x1;
	s7 =	sadd.s32 $0x600, s10  }
0xf: {  	v15 =	vimm.f32 $0.0e+00;
	s8 =	sadd.s32 $0x800, s10;
	s9 =	sadd.s32 $0xA00, s10;
	s10 =	sadd.s32 $0xC00, s10  }
.LBB2_1:
0x10: {  	[tilespmem:s3], [sflag:$0x2] =	stream.linear.gather [hbm4b:s5+s3], $0x80, $0x38;
	[tilespmem:$0xCA80] =	vst v63  }
0x11: {  	_ =	swait.ge [sflag:s12], $0x80  }
0x12: {  	[sflag:s12] =	ssyncset.done $0x0  }
0x13: {  	[sflag:s12] =	ssyncadd.s32 $0xFFFFFF80  }
0x14: {  	v13 =	vld [tilespmem:$0x20];
	_ =	sdelay $0x4  }
0x15: {  	[tilespmem:$0x1FFA0] =	vst v13;
	v13 =	vld [tilespmem:$0x30];
	_ =	sdelay $0x4  }
0x16: {  	[tilespmem:$0x1FFB0] =	vst v13;
	v13 =	vld [tilespmem:$0x40];
	_ =	sdelay $0x4  }
0x17: {  	[tilespmem:$0x1FFC0] =	vst v13;
	v13 =	vld [tilespmem:$0x50];
	_ =	sdelay $0x4  }
0x18: {  	v0 =	vimm.f32 $0.0e+00;
	v1 =	vimm.f32 $0.0e+00;
	[tilespmem:$0x1FFD0] =	vst v13;
	v13 =	vld [tilespmem:$0x60]  }
0x19: {  	v2 =	vimm.f32 $0.0e+00;
	v3 =	vimm.f32 $0.0e+00;
	v4 =	vimm.f32 $0.0e+00  }
0x1a: {  	v5 =	vimm.f32 $0.0e+00;
	v6 =	vimm.f32 $0.0e+00;
	v7 =	vimm.f32 $0.0e+00  }
0x1b: {  	v9 =	vimm.f32 $0.0e+00;
	v10 =	vimm.f32 $0.0e+00;
	v12 =	vimm.f32 $0.0e+00;
	v8 =	vld [tilespmem:$0x0]  }
0x1c: {  	v14 =	vimm.f32 $0.0e+00;
	v16 =	vimm.f32 $0.0e+00;
	v17 =	vimm.f32 $0.0e+00;
	v11 =	vld [tilespmem:$0x10]  }
0x1d: {  	v21 =	vimm.f32 $0.0e+00;
	v27 =	vimm.f32 $0.0e+00;
	v28 =	vimm.f32 $0.0e+00;
	[tilespmem:$0x1FFE0] =	vst v13;
	v13 =	vld [tilespmem:$0x70]  }
0x1e: {  	v29 =	vimm.f32 $0.0e+00;
	v30 =	vimm.f32 $0.0e+00;
	v36 =	vimm.f32 $0.0e+00  }
0x1f: {  	v45 =	vimm.f32 $0.0e+00;
	v47 =	vimm.f32 $0.0e+00;
	v52 =	vimm.f32 $-Inf  }
0x20: {  	v53 =	vimm.f32 $-Inf;
	v51 =	vimm.f32 $-Inf;
	v54 =	vimm.f32 $-Inf;
	[tilespmem:$0x1FF80] =	vst v8  }
0x21: {  	v55 =	vimm.f32 $-Inf;
	v56 =	vimm.f32 $-Inf;
	v50 =	vimm.f32 $-Inf;
	[tilespmem:$0x1FF90] =	vst v11  }
0x22: {  	v46 =	vimm.f32 $-Inf;
	s22 =	simm.s32 $0x0;
	v8 =	vimm.f32 $0.0e+00;
	v11 =	vimm.f32 $0.0e+00;
	[tilespmem:$0x1FFF0] =	vst v13  }
.LBB2_2:
0x23: {  	[tilespmem:$0x1FEF0] =	vst v21  }
0x24: {  	[tilespmem:$0x1FF00] =	vst v7  }
0x25: {  	[tilespmem:$0x1FF10] =	vst v6;
	s23 =	smul.u32 $0x190, s22  }
0x26: {  	[tilespmem:$0x1FF20] =	vst v5  }
0x27: {  	[tilespmem:$0x1FF30] =	vst v4;
	s23 =	sadd.s32 s23, s6  }
0x28: {  	[tilespmem:$0x1FF40] =	vst v3;
	s24 =	sor.u32 s4, s23  }
0x29: {  	[tilespmem:$0x1FF50] =	vst v2;
	s24 =	sshll.u32 s24, $0x7  }
0x2a: {  	[tilespmem:$0x1FF60] =	vst v1;
	s24 =	sand.u32 $0x1FFFFB80, s24  }
0x2b: {  	[tilespmem:$0x1FF70] =	vst v0;
	s24 =	sadd.s32 s2, s24  }
0x2c: {  	[tilespmem:s15], [sflag:$0x1] =	stream.strided.gather [hbm4b:s24+s13], $0xC800, s14, s13, $0x38;
	[tilespmem:$0xCA80] =	vst v63  }
0x2d: {  	_ =	swait.ge [sflag:s16], $0xC800  }
0x2e: {  	v1 =	vld [tilespmem:$0x1FF80]  }
0x2f: {  	v2 =	vld [tilespmem:$0x1FFB0];
	_ =	sdelay $0x2  }
0x30: {  	v0 =	vmov s23  }
0x31: {  	v31 =	vsub.s32 v1, v0;
	v1 =	vld [tilespmem:$0x1FF90]  }
0x32: {  	v34 =	vsub.s32 v2, v0;
	v2 =	vld [tilespmem:$0x1FFC0]  }
0x33: {  	[sflag:s16] =	ssyncset.done $0x0;
	v3 =	vld [tilespmem:$0x1FFE0]  }
0x34: {  	s30 =	simm.s32 $0xC0;
	[sflag:s16] =	ssyncadd.s32 $0xFFFF3800  }
0x35: {  	v25 =	vld [tilespmem:s30+$0xFFFFFFF0]  }
0x36: {  	v32 =	vsub.s32 v1, v0;
	v1 =	vld [tilespmem:$0x1FFA0]  }
0x37: {  	v35 =	vsub.s32 v2, v0;
	v2 =	vld [tilespmem:$0x1FFD0]  }
0x38: {  	v38 =	vsub.s32 v3, v0;
	v3 =	vld [tilespmem:$0x1FFF0]  }
0x39: {  	v57 =	vld [tilespmem:s30+$0x0]  }
0x3a: {  	s31 =	simm.s32 $0x0;
	v58 =	vld [tilespmem:s30+$0x10]  }
0x3b: {  	vm0 =	veq.s32 v31, s31;
	v33 =	vsub.s32 v1, v0;
	v1 =	vld [tilespmem:s30+$0x30]  }
0x3c: {  	vm3 =	veq.s32 v34, s31;
	vm6 =	veq.s32 v38, s31;
	v37 =	vsub.s32 v2, v0;
	v2 =	vld [tilespmem:s30+$0xFFFFFFD0]  }
0x3d: {  	v40 =	vadd.f32 v25, v15;
	v39 =	vsub.s32 v3, v0;
	v3 =	vimm.f32 $-Inf;
	v0 =	vld [tilespmem:s30+$0xFFFFFFE0]  }
0x3e: {  	vm1 =	veq.s32 v32, s31;
	vm4 =	veq.s32 v35, s31;
	vm7 =	veq.s32 v39, s31  }
0x3f: {  	v62 =	vmax.f32 v3, v57;
	v63 =	vmax.f32 v3, v58;
	vm2 =	veq.s32 v33, s31  }
0x40: {  	v18 =	vmax.f32 v3, v1;
	v41 =	vadd.f32 v1, v15;
	v1 =	vnsel vm7, $0x0, v1  }
0x41: {  	v13 =	vld [tilespmem:s30+$0x20];
	v43 =	vmax.f32 v3, v2;
	v20 =	vnsel vm1, $0x0, v2;
	v23 =	vadd.f32 v2, v15  }
0x42: {  	v2 =	vnsel vm2, $0x0, v0;
	v48 =	vadd.f32 v0, v15;
	v19 =	vadd.f32 v1, v15  }
0x43: {  	v1 =	vld [tilespmem:s30+$0xFFFFFFC0];
	v24 =	vadd.f32 v20, v15;
	v20 =	vmax.f32 v3, v0;
	v21 =	vadd.f32 v2, v15  }
0x44: {  	v2 =	vnsel vm3, $0x0, v25;
	v0 =	vnsel vm4, $0x0, v57;
	v57 =	vadd.f32 v57, v15  }
0x45: {  	vm5 =	veq.s32 v37, s31;
	v22 =	vadd.f32 v2, v15;
	v44 =	vadd.f32 v0, v15  }
0x46: {  	v0 =	vnsel vm5, $0x0, v58;
	v2 =	vnsel vm6, $0x0, v13;
	v58 =	vadd.f32 v58, v15  }
0x47: {  	v42 =	vmax.f32 v3, v25;
	v49 =	vadd.f32 v0, v15;
	v60 =	vadd.f32 v2, v15  }
0x48: {  	s23 =	simm.s32 $0x140;
	v0 =	vnsel vm0, $0x0, v1;
	v25 =	vmax.f32 v3, v1;
	v61 =	vadd.f32 v1, v15  }
0x49: {  	s25 =	simm.s32 $0x2;
	s24 =	simm.s32 $0x1;
	v2 =	vld [tilespmem:s23+$0x30];
	v1 =	vimm.f32 $0.0e+00;
	v59 =	vadd.f32 v0, v15;
	v0 =	vimm.f32 $-Inf  }
.LBB2_3:
0x4a: {  	p0 =	sne.s32 s25, $0x18F;
	v3 =	vld [tilespmem:s23+$0xFFFFFFD0];
	v0 =	vmax.f32 v0, v13;
	v1 =	vadd.f32 v13, v1  }
0x4b: {  	vm0 =	veq.s32 v31, s24;
	vm2 =	veq.s32 v32, s24;
	v4 =	vld [tilespmem:s23+$0xFFFFFFE0]  }
0x4c: {  	vm3 =	veq.s32 v33, s24;
	vm4 =	veq.s32 v34, s24;
	vm5 =	veq.s32 v35, s24;
	v5 =	vld [tilespmem:s23+$0xFFFFFFF0]  }
0x4d: {  	vm6 =	veq.s32 v37, s24;
	vm1 =	veq.s32 v38, s24;
	vm7 =	veq.s32 v39, s24;
	s24 =	smov.u32 s25;
	v6 =	vld [tilespmem:s23+$0x0]  }
0x4e: {  	v26 =	vld [tilespmem:s23+$0x10];
	v18 =	vmax.f32 v18, v2;
	v41 =	vadd.f32 v2, v41;
	v2 =	vnsel vm7, $0x0, v2  }
0x4f: {  	v43 =	vmax.f32 v43, v3;
	v7 =	vnsel vm2, $0x0, v3;
	v13 =	vld [tilespmem:s23+$0x20];
	v19 =	vadd.f32 v2, v19  }
0x50: {  	v23 =	vadd.f32 v3, v23;
	v2 =	vld [tilespmem:s23+$0xFFFFFFC0];
	v24 =	vadd.f32 v7, v24;
	v3 =	vnsel vm3, $0x0, v4  }
0x51: {  	v20 =	vmax.f32 v20, v4;
	v21 =	vadd.f32 v3, v21;
	v3 =	vnsel vm4, $0x0, v5  }
0x52: {  	v48 =	vadd.f32 v4, v48;
	v22 =	vadd.f32 v3, v22;
	v3 =	vnsel vm5, $0x0, v6  }
.Ltmp0:
0x53: {  	v42 =	vmax.f32 v42, v5;
	v44 =	vadd.f32 v3, v44;
	v3 =	vnsel vm6, $0x0, v26;
	(pc) =	sbr.rel @p0 .LBB2_3-.Ltmp0, $4  }
0x54: {  	v40 =	vadd.f32 v5, v40;
	v49 =	vadd.f32 v3, v49;
	v3 =	vnsel vm1, $0x0, v13  }
0x55: {  	v25 =	vmax.f32 v25, v2;
	v4 =	vnsel vm0, $0x0, v2;
	v60 =	vadd.f32 v3, v60  }
0x56: {  	s23 =	sadd.s32 $0x80, s23;
	v62 =	vmax.f32 v62, v6;
	v61 =	vadd.f32 v2, v61;
	v59 =	vadd.f32 v4, v59  }
0x57: {  	s25 =	sadd.s32 $0x1, s25;
	v57 =	vadd.f32 v6, v57;
	v63 =	vmax.f32 v63, v26;
	v58 =	vadd.f32 v26, v58;
	v2 =	vld [tilespmem:s23+$0x30]  }
0x58: {  	v3 =	vld [tilespmem:s23+$0xFFFFFFD0]  }
0x59: {  	v0 =	vmax.f32 v0, v13;
	v1 =	vadd.f32 v13, v1;
	v4 =	vld [tilespmem:s23+$0xFFFFFFE0];
	vm0 =	veq.s32 v31, s24  }
0x5a: {  	vm2 =	veq.s32 v32, s24;
	vm3 =	veq.s32 v33, s24;
	vm4 =	veq.s32 v34, s24;
	v6 =	vld [tilespmem:s23+$0xFFFFFFC0]  }
0x5b: {  	v5 =	vld [tilespmem:s23+$0xFFFFFFF0];
	vm5 =	veq.s32 v35, s24;
	vm1 =	veq.s32 v38, s24;
	vm7 =	veq.s32 v39, s24  }
0x5c: {  	v13 =	vld [tilespmem:s23+$0x0];
	v7 =	vmax.f32 v18, v2;
	v35 =	vadd.f32 v2, v41;
	v2 =	vnsel vm7, $0x0, v2  }
0x5d: {  	v18 =	vmax.f32 v43, v3;
	v26 =	vnsel vm2, $0x0, v3;
	v33 =	vadd.f32 v2, v19  }
0x5e: {  	v43 =	vadd.f32 v3, v23;
	v3 =	vnsel vm3, $0x0, v4;
	v19 =	vmax.f32 v20, v4  }
0x5f: {  	v20 =	vmax.f32 v25, v6;
	v48 =	vadd.f32 v4, v48;
	v39 =	vadd.f32 v3, v21  }
0x60: {  	v3 =	vnsel vm4, $0x0, v5;
	v31 =	vmax.f32 v46, v20;
	v32 =	vmax.f32 v50, v18  }
0x61: {  	v2 =	vld [tilespmem:s23+$0x10];
	v41 =	vadd.f32 v3, v22;
	v3 =	vnsel vm5, $0x0, v13;
	v38 =	vsub.f32 v46, v31  }
0x62: {  	v18 =	vld [tilespmem:s23+$0x20];
	v46 =	vadd.f32 v3, v44;
	v3 =	vsub.f32 v50, v32  }
0x63: {  	v20 =	vmax.f32 v42, v5;
	v34 =	vmax.f32 v56, v19;
	v4 =	vmul.f32 $1.442695020e+00, v38  }
0x64: {  	v19 =	vmax.f32 v62, v13;
	v56 =	vsub.f32 v56, v34;
	v3 =	vmul.f32 $1.442695020e+00, v3  }
0x65: {  	v50 =	vadd.f32 v5, v40;
	v40 =	vmax.f32 v54, v19;
	(erf) = vpow2.f32 v4  }
0x66: {  	v38 =	vmax.f32 v55, v20;
	(erf) = vpow2.f32 v3;
	v3 =	vmul.f32 $1.442695020e+00, v56  }
0x67: {  	v22 =	vmax.f32 v63, v2;
	v63 =	vsub.f32 v55, v38;
	v0 =	vmax.f32 v0, v18  }
0x68: {  	v42 =	vmax.f32 v51, v22;
	(erf) = vpow2.f32 v3;
	v3 =	vsub.f32 v54, v40  }
0x69: {  	s30 =	simm.s32 $0x0;
	v44 =	vmax.f32 v53, v0;
	v0 =	vmul.f32 $1.442695020e+00, v63;
	v55 =	vsub.f32 v51, v42  }
0x6a: {  	v19 =	vld [tilespmem:s30+$0xF0];
	v56 =	vsub.f32 v53, v44;
	v3 =	vmul.f32 $1.442695020e+00, v3  }
0x6b: {  	vm6 =	veq.s32 v37, s24;
	(erf) = vpow2.f32 v0;
	v0 =	vmul.f32 $1.442695020e+00, v55  }
0x6c: {  	v62 =	vld [tilespmem:s30+$0x80];
	v21 =	vnsel vm6, $0x0, v2;
	(erf) = vpow2.f32 v3;
	v3 =	vmul.f32 $1.442695020e+00, v56  }
0x6d: {  	v51 =	vadd.f32 v21, v49;
	v49 =	vmax.f32 v52, v7;
	v63 =	vld [tilespmem:s30+$0x90];
	v7 =	vnsel vm0, $0x0, v6  }
0x6e: {  	v21 =	vld [tilespmem:s30+$0xA0];
	v53 =	vadd.f32 v7, v59;
	(erf) = vpow2.f32 v0;
	v0 =	vsub.f32 v52, v49  }
0x6f: {  	v7 =	vsub.f32 v19, v49;
	v54 =	vadd.f32 v6, v61;
	v6 =	vpop (erf)  }
0x70: {  	(erf) = vpow2.f32 v3;
	v0 =	vmul.f32 $1.442695020e+00, v0;
	v3 =	vpop (erf)  }
0x71: {  	v4 =	vsub.f32 v62, v31;
	v7 =	vmul.f32 $1.442695020e+00, v7;
	v45 =	vmul.f32 v3, v45;
	v3 =	vld [tilespmem:s30+$0xB0]  }
0x72: {  	v5 =	vsub.f32 v63, v32;
	v47 =	vmul.f32 v6, v47;
	v6 =	vpop (erf);
	(erf) = vpow2.f32 v0;
	v0 =	vld [tilespmem:s30+$0xC0]  }
0x73: {  	v4 =	vmul.f32 $1.442695020e+00, v4;
	v19 =	vsub.f32 v21, v34;
	v36 =	vmul.f32 v6, v36;
	v6 =	vld [tilespmem:s30+$0xD0]  }
0x74: {  	v20 =	vnsel vm1, $0x0, v18;
	v5 =	vmul.f32 $1.442695020e+00, v5;
	(erf) = vpow2.f32 v7  }
0x75: {  	v55 =	vadd.f32 v13, v57;
	v13 =	vld [tilespmem:s30+$0xE0];
	v7 =	vmul.f32 $1.442695020e+00, v19;
	(erf) = vpow2.f32 v4  }
0x76: {  	s31 =	simm.s32 $0x80;
	v56 =	vadd.f32 v2, v58;
	v52 =	vadd.f32 v20, v60;
	v2 =	vpop (erf);
	(erf) = vpow2.f32 v5  }
0x77: {  	v60 =	vld [tilespmem:s31+$0xF0];
	v30 =	vmul.f32 v2, v30;
	v2 =	vpop (erf);
	(erf) = vpow2.f32 v7;
	v3 =	vsub.f32 v3, v38  }
0x78: {  	v61 =	vld [tilespmem:s31+$0x80];
	v29 =	vmul.f32 v2, v29;
	v2 =	vpop (erf);
	v0 =	vsub.f32 v0, v40;
	v6 =	vsub.f32 v6, v42  }
0x79: {  	v62 =	vld [tilespmem:$0x1FEF0];
	v28 =	vmul.f32 v2, v28;
	v2 =	vpop (erf);
	v3 =	vmul.f32 $1.442695020e+00, v3  }
0x7a: {  	v20 =	vld [tilespmem:s31+$0xC0];
	v27 =	vmul.f32 v2, v27;
	v0 =	vmul.f32 $1.442695020e+00, v0;
	v2 =	vsub.f32 v13, v44  }
0x7b: {  	v57 =	vadd.f32 v18, v1;
	v7 =	vld [tilespmem:s31+$0x90];
	v1 =	vmul.f32 $1.442695020e+00, v6;
	(erf) = vpow2.f32 v3  }
0x7c: {  	v13 =	vld [tilespmem:s31+$0xA0];
	v2 =	vmul.f32 $1.442695020e+00, v2;
	v6 =	vpop (erf);
	(erf) = vpow2.f32 v0;
	v0 =	vsub.f32 v60, v49  }
0x7d: {  	v3 =	vld [tilespmem:s31+$0xB0];
	(erf) = vpow2.f32 v1;
	v1 =	vsub.f32 v61, v31  }
0x7e: {  	(erf) = vpow2.f32 v2;
	v0 =	vmul.f32 $1.442695020e+00, v0  }
0x7f: {  	v4 =	vmul.f32 v6, v62;
	v6 =	vmul.f32 $1.442695020e+00, v1;
	v1 =	vld [tilespmem:s31+$0xD0]  }
0x80: {  	v63 =	vpop (erf);
	v2 =	vsub.f32 v7, v32;
	(erf) = vpow2.f32 v0;
	v0 =	vld [tilespmem:s31+$0xE0]  }
0x81: {  	v37 =	vadd.f32 v26, v24;
	v7 =	vsub.f32 v13, v34;
	v18 =	vpop (erf)  }
0x82: {  	v22 =	vsub.f32 v20, v40;
	v19 =	vpop (erf);
	v2 =	vmul.f32 $1.442695020e+00, v2;
	v21 =	vsub.f32 v3, v38  }
0x83: {  	s24 =	simm.s32 $0x600;
	s23 =	simm.s32 $0x100;
	v26 =	vadd.f32 v63, v4;
	v13 =	vmul.f32 $1.442695020e+00, v7;
	v20 =	vpop (erf);
	(erf) = vpow2.f32 v6  }
.LBB2_5:
0x84: {  	p0 =	sne.s32 s24, $0x31E00;
	v3 =	vld [tilespmem:s23+$0xF0];
	v21 =	vmul.f32 $1.442695020e+00, v21;
	v1 =	vsub.f32 v1, v42;
	(erf) = vpow2.f32 v2;
	v2 =	vpop (erf)  }
0x85: {  	v5 =	vld [tilespmem:s23+$0x80];
	v22 =	vmul.f32 $1.442695020e+00, v22;
	v0 =	vsub.f32 v0, v44;
	(erf) = vpow2.f32 v13;
	v7 =	vpop (erf)  }
0x86: {  	v47 =	vadd.f32 v18, v47;
	v13 =	vld [tilespmem:s23+$0x90];
	v1 =	vmul.f32 $1.442695020e+00, v1;
	(erf) = vpow2.f32 v21;
	v4 =	vpop (erf)  }
0x87: {  	v45 =	vadd.f32 v19, v45;
	v18 =	vld [tilespmem:s23+$0xA0];
	v0 =	vmul.f32 $1.442695020e+00, v0;
	(erf) = vpow2.f32 v22;
	v6 =	vpop (erf)  }
0x88: {  	v36 =	vadd.f32 v20, v36;
	v30 =	vadd.f32 v2, v30;
	v19 =	vld [tilespmem:s23+$0xB0];
	(erf) = vpow2.f32 v1  }
0x89: {  	v29 =	vadd.f32 v7, v29;
	v20 =	vld [tilespmem:s23+$0xC0];
	v21 =	vsub.f32 v3, v49;
	(erf) = vpow2.f32 v0  }
.Ltmp1:
0x8a: {  	v28 =	vadd.f32 v4, v28;
	v3 =	vsub.f32 v5, v31;
	v1 =	vld [tilespmem:s23+$0xD0];
	(pc) =	sbr.rel @p0 .LBB2_5-.Ltmp1, $4  }
0x8b: {  	v27 =	vadd.f32 v6, v27;
	v4 =	vsub.f32 v13, v32;
	v0 =	vld [tilespmem:s23+$0xE0];
	v5 =	vmul.f32 $1.442695020e+00, v21;
	v2 =	vpop (erf)  }
0x8c: {  	v3 =	vmul.f32 $1.442695020e+00, v3;
	v6 =	vsub.f32 v18, v34;
	v26 =	vadd.f32 v2, v26;
	v18 =	vpop (erf)  }
0x8d: {  	v2 =	vmul.f32 $1.442695020e+00, v4;
	v21 =	vsub.f32 v19, v38;
	(erf) = vpow2.f32 v5;
	v19 =	vpop (erf)  }
0x8e: {  	s23 =	sshra.s32 s24, $0x2;
	s24 =	sadd.s32 $0x200, s24;
	v13 =	vmul.f32 $1.442695020e+00, v6;
	v22 =	vsub.f32 v20, v40;
	(erf) = vpow2.f32 v3;
	v20 =	vpop (erf)  }
0x8f: {  	v3 =	vld [tilespmem:s23+$0xF0]  }
0x90: {  	v4 =	vld [tilespmem:s23+$0x80]  }
0x91: {  	v5 =	vld [tilespmem:s23+$0x90]  }
0x92: {  	v6 =	vmul.f32 $1.442695020e+00, v21;
	v1 =	vsub.f32 v1, v42;
	(erf) = vpow2.f32 v2;
	v2 =	vld [tilespmem:s23+$0xA0]  }
0x93: {  	v7 =	vmul.f32 $1.442695020e+00, v22;
	v0 =	vsub.f32 v0, v44;
	(erf) = vpow2.f32 v13;
	v13 =	vld [tilespmem:s23+$0xB0]  }
0x94: {  	v1 =	vmul.f32 $1.442695020e+00, v1;
	(erf) = vpow2.f32 v6;
	v6 =	vld [tilespmem:s23+$0xC0];
	v3 =	vsub.f32 v3, v49  }
0x95: {  	v21 =	vpop (erf);
	v0 =	vmul.f32 $1.442695020e+00, v0;
	(erf) = vpow2.f32 v7;
	v7 =	vld [tilespmem:s23+$0xD0];
	v4 =	vsub.f32 v4, v31  }
0x96: {  	v22 =	vpop (erf);
	(erf) = vpow2.f32 v1;
	v1 =	vsub.f32 v5, v32;
	v5 =	vld [tilespmem:s23+$0xE0];
	v3 =	vmul.f32 $1.442695020e+00, v3  }
0x97: {  	v23 =	vpop (erf);
	(erf) = vpow2.f32 v0;
	v2 =	vsub.f32 v2, v34;
	v0 =	vmul.f32 $1.442695020e+00, v4  }
0x98: {  	v13 =	vsub.f32 v13, v38;
	v1 =	vmul.f32 $1.442695020e+00, v1  }
0x99: {  	v2 =	vmul.f32 $1.442695020e+00, v2;
	v6 =	vsub.f32 v6, v40;
	v4 =	vpop (erf);
	(erf) = vpow2.f32 v3  }
0x9a: {  	v13 =	vmul.f32 $1.442695020e+00, v13;
	v7 =	vsub.f32 v7, v42;
	v3 =	vpop (erf);
	(erf) = vpow2.f32 v0  }
0x9b: {  	v6 =	vmul.f32 $1.442695020e+00, v6;
	v5 =	vsub.f32 v5, v44;
	v0 =	vpop (erf);
	(erf) = vpow2.f32 v1  }
0x9c: {  	v7 =	vmul.f32 $1.442695020e+00, v7;
	v1 =	vpop (erf);
	(erf) = vpow2.f32 v2  }
0x9d: {  	v21 =	vadd.f32 v21, v30;
	v5 =	vmul.f32 $1.442695020e+00, v5;
	v2 =	vpop (erf);
	(erf) = vpow2.f32 v13  }
0x9e: {  	v17 =	vadd.f32 v54, v17;
	v22 =	vadd.f32 v22, v29;
	v13 =	vpop (erf);
	(erf) = vpow2.f32 v6  }
0x9f: {  	v23 =	vadd.f32 v23, v28;
	v6 =	vadd.f32 v18, v47;
	v18 =	vpop (erf);
	(erf) = vpow2.f32 v7  }
0xa0: {  	v7 =	vadd.f32 v19, v45;
	v19 =	vadd.f32 v20, v36;
	v20 =	vpop (erf);
	(erf) = vpow2.f32 v5  }
0xa1: {  	v4 =	vadd.f32 v4, v27;
	v3 =	vadd.f32 v3, v26;
	v5 =	vpop (erf)  }
0xa2: {  	v13 =	vadd.f32 v13, v21;
	v0 =	vadd.f32 v0, v6;
	v24 =	vpop (erf)  }
0xa3: {  	v18 =	vadd.f32 v18, v22;
	v1 =	vadd.f32 v1, v7;
	v6 =	vpop (erf)  }
0xa4: {  	v2 =	vadd.f32 v2, v19;
	v7 =	vpop (erf);
	v47 =	vadd.f32 v6, v0;
	v6 =	vld [tilespmem:$0x1FF10]  }
0xa5: {  	v20 =	vadd.f32 v20, v23;
	v19 =	vpop (erf);
	v45 =	vadd.f32 v7, v1;
	v7 =	vld [tilespmem:$0x1FF00]  }
0xa6: {  	v4 =	vadd.f32 v5, v4;
	v5 =	vpop (erf);
	v36 =	vadd.f32 v19, v2;
	v2 =	vld [tilespmem:$0x1FF50]  }
0xa7: {  	v21 =	vadd.f32 v24, v3;
	v3 =	vpop (erf);
	v30 =	vadd.f32 v5, v13;
	v5 =	vld [tilespmem:$0x1FF20]  }
0xa8: {  	v16 =	vadd.f32 v43, v16;
	v0 =	vpop (erf);
	v29 =	vadd.f32 v3, v18;
	v3 =	vld [tilespmem:$0x1FF40]  }
0xa9: {  	v14 =	vadd.f32 v48, v14;
	v1 =	vpop (erf);
	v28 =	vadd.f32 v0, v20;
	v0 =	vld [tilespmem:$0x1FF70]  }
0xaa: {  	s22 =	sadd.s32 $0x1, s22;
	v12 =	vadd.f32 v50, v12;
	v27 =	vadd.f32 v1, v4;
	v4 =	vld [tilespmem:$0x1FF30]  }
0xab: {  	v11 =	vadd.f32 v55, v11;
	v10 =	vadd.f32 v56, v10;
	p0 =	sne.s32 s22, $0x16;
	v1 =	vld [tilespmem:$0x1FF60]  }
.Ltmp2:
0xac: {  	v9 =	vadd.f32 v57, v9;
	v8 =	vadd.f32 v35, v8;
	(pc) =	sbr.rel @p0 .LBB2_2-.Ltmp2, $4  }
0xad: {  	v6 =	vadd.f32 v37, v6;
	v7 =	vadd.f32 v53, v7  }
0xae: {  	v54 =	vmovc v40;
	v55 =	vmov v38;
	v2 =	vadd.f32 v51, v2;
	v5 =	vadd.f32 v39, v5  }
0xaf: {  	v56 =	vmovc v34;
	v50 =	vmovc v32;
	v53 =	vmov v44;
	v3 =	vadd.f32 v46, v3;
	v0 =	vadd.f32 v33, v0  }
0xb0: {  	v51 =	vmovc v42;
	v46 =	vmovc v31;
	v4 =	vadd.f32 v41, v4;
	v1 =	vadd.f32 v52, v1;
	v52 =	vmov v49  }
0xb1: {  	[tilespmem:$0xC880] =	vst v31  }
0xb2: {  	[tilespmem:$0xC890] =	vst v32  }
0xb3: {  	[tilespmem:$0xC8A0] =	vst v34  }
0xb4: {  	[tilespmem:$0xC8B0] =	vst v38  }
0xb5: {  	[tilespmem:$0xC8C0] =	vst v40  }
0xb6: {  	[tilespmem:$0xC8D0] =	vst v42  }
0xb7: {  	[tilespmem:$0xC8E0] =	vst v44  }
0xb8: {  	[tilespmem:$0xC8F0] =	vst v49  }
0xb9: {  	[tilespmem:$0xC900] =	vst v47  }
0xba: {  	[tilespmem:$0xC910] =	vst v45  }
0xbb: {  	[tilespmem:$0xC920] =	vst v36  }
0xbc: {  	[tilespmem:$0xC930] =	vst v30  }
0xbd: {  	[tilespmem:$0xC940] =	vst v29  }
0xbe: {  	[tilespmem:$0xC950] =	vst v28  }
0xbf: {  	[tilespmem:$0xC960] =	vst v27  }
0xc0: {  	[tilespmem:$0xC970] =	vst v21  }
0xc1: {  	[tilespmem:$0xC980] =	vst v17  }
0xc2: {  	[tilespmem:$0xC990] =	vst v16  }
0xc3: {  	[tilespmem:$0xC9A0] =	vst v14  }
0xc4: {  	[tilespmem:$0xC9B0] =	vst v12  }
0xc5: {  	[tilespmem:$0xC9C0] =	vst v11  }
0xc6: {  	[tilespmem:$0xC9D0] =	vst v10  }
0xc7: {  	[tilespmem:$0xC9E0] =	vst v9  }
0xc8: {  	[tilespmem:$0xC9F0] =	vst v8  }
0xc9: {  	[tilespmem:$0xCA00] =	vst v7  }
0xca: {  	[tilespmem:$0xCA10] =	vst v6  }
0xcb: {  	[tilespmem:$0xCA20] =	vst v5  }
0xcc: {  	[tilespmem:$0xCA40] =	vst v3  }
0xcd: {  	[tilespmem:$0xCA50] =	vst v2  }
0xce: {  	[tilespmem:$0xCA70] =	vst v0  }
0xcf: {  	[tilespmem:$0xCA30] =	vst v4  }
0xd0: {  	[tilespmem:$0xCA60] =	vst v1  }
0xd1: {  	[hbm4b:s7+s3] =	stream.linear.scatter [tilespmem:s17], [sflag:$0x2], $0x80, $0x38;
	[tilespmem:$0xCA80] =	vst v63  }
0xd2: {  	_ =	swait.ge [sflag:s12], $0x80  }
0xd3: {  	[sflag:s12] =	ssyncset.done $0x0  }
0xd4: {  	[sflag:s12] =	ssyncadd.s32 $0xFFFFFF80  }
0xd5: {  	[hbm4b:s8+s3] =	stream.linear.scatter [tilespmem:s18], [sflag:$0x2], $0x80, $0x38;
	[tilespmem:$0xCA80] =	vst v63  }
0xd6: {  	_ =	swait.ge [sflag:s12], $0x80  }
0xd7: {  	[sflag:s12] =	ssyncset.done $0x0  }
0xd8: {  	[sflag:s12] =	ssyncadd.s32 $0xFFFFFF80  }
0xd9: {  	[hbm4b:s9+s3] =	stream.linear.scatter [tilespmem:s19], [sflag:$0x2], $0x80, $0x38;
	[tilespmem:$0xCA80] =	vst v63  }
0xda: {  	s21 =	sadd.s32 $0x1, s21;
	_ =	swait.ge [sflag:s12], $0x80  }
0xdb: {  	p0 =	sne.s32 s21, s11;
	[sflag:s12] =	ssyncset.done $0x0  }
.Ltmp3:
0xdc: {  	[sflag:s12] =	ssyncadd.s32 $0xFFFFFF80;
	(pc) =	sbr.rel @p0 .LBB2_1-.Ltmp3, $4  }
0xdd: {  	[hbm4b:s10+s3] =	stream.linear.scatter [tilespmem:s20], [sflag:$0x2], $0x80, $0x38;
	[tilespmem:$0xCA80] =	vst v63  }
0xde: {  	_ =	swait.ge [sflag:s12], $0x80  }
0xdf: {  	[sflag:s12] =	ssyncset.done $0x0  }
0xe0: {  	[sflag:s12] =	ssyncadd.s32 $0xFFFFFF80  }
0xe1: {  	_ =	sfence.sel $0x180000  }
0xe2: {  	[bflag:$0x0] =	sbarrier.arrive $0xFFFF  }
0xe3: {  	p0 =	sne.s32 s0, $0x0;
	_ =	strace $0x90000047  }
0xe4: {  	s0 =	sadd.s32 @!p0 $0x100000, s1;
	[bflag:$0x2] =	sbarrier.arrive $0xFFFF  }
0xe5: {  	[sflag:s0] =	ssyncadd.tile.s32 @!p0 $0x1;
	_ =	shalt  }
.Lfunc_end2:
_tile_overlayer_lowered:
.L_overlay_start_2:
0xe6: {  	(tag) =	ssettag $0x2  }
0xe7: {  	s0 =	rddreg [dreg:$0x0];
	s2 =	stileid.u32  }
0xe8: {  	s1 =	rddreg [dreg:$0x1];
	p0 =	sne.s32 s2, $0x0  }
0xe9: {  	s3 =	rddreg [dreg:$0x2];
	[bflag:$0x3] =	sbarrier.arrive $0xFFFF;
	s2 =	simm.s32 @!p0 $0x1C02  }
0xea: {  	[timem:s3], [sflag:s2] =	dma.local @!p0 [hbm:s0], s1  }
0xeb: {  	s0 =	simm.s32 @!p0 $0x2  }
0xec: {  	_ =	swait.ge @!p0 [sflag:s0], s1  }
0xed: {  	s1 =	ssub.s32 @!p0 $0x0, s1;
	[sflag:s0] =	ssyncset.done @!p0 $0x0  }
0xee: {  	[sflag:s0] =	ssyncadd.s32 @!p0 s1  }
0xef: {  	[bflag:$0x3] =	sbarrier.arrive $0xFFFF  }
0xf0: {  	_ =	shalt  }

</sc_bundles>
